<compile_context>
chip_gen: v7x
topology: tpu7x:2x2x1
jax: 0.10.2.dev20260603
libtpu: 0.0.44.dev20260713+nightly
codegen_flags: <defaults>
</compile_context>

<pallas_src>
import functools

import jax
import jax.numpy as jnp
from jax import lax
from jax.experimental import pallas as pl
from jax.experimental.pallas import tpu as pltpu
from jax.experimental.pallas import tpu_sc as plsc

EMB = 32
HID = 64
BATCH = 4096
SEQ = 50

_NW = 32
_ROWS = BATCH * SEQ
_RPW = _ROWS // _NW
_GC = 128
_GPW = _RPW // _GC
_CH = 10
_NCH = _GPW // _CH
_CROWS = _CH * _GC


def _gather_sc(idx3d, table):
    mesh = plsc.VectorSubcoreMesh(core_axis_name="c", subcore_axis_name="s")

    @functools.partial(
        pl.kernel,
        mesh=mesh,
        out_type=jax.ShapeDtypeStruct((_ROWS, EMB), jnp.float32),
        scratch_types=[
            pltpu.VMEM((_CH, _GC), jnp.int32),
            pltpu.VMEM((_CROWS, EMB), jnp.float32),
            pltpu.SemaphoreType.DMA,
        ],
        compiler_params=pltpu.CompilerParams(use_tc_tiling_on_sc=False),
    )
    def k(idx_hbm, table_hbm, out_hbm, idx_v, rows_v, sem):
        wid = lax.axis_index("s") * 2 + lax.axis_index("c")

        def chunk(c, carry):
            blk = wid * _NCH + c
            pltpu.sync_copy(idx_hbm.at[blk], idx_v)
            for j in range(_CH):
                pltpu.async_copy(
                    table_hbm.at[idx_v.at[j]],
                    rows_v.at[pl.ds(j * _GC, _GC)],
                    sem,
                )
            for j in range(_CH):
                pltpu.make_async_copy(
                    table_hbm.at[idx_v.at[j]],
                    rows_v.at[pl.ds(j * _GC, _GC)],
                    sem,
                ).wait()
            pltpu.sync_copy(rows_v, out_hbm.at[pl.ds(blk * _CROWS, _CROWS)])
            return carry

        lax.fori_loop(0, _NCH, chunk, 0)

    return k(idx3d, table)


_KDIM = 104


def _sig(v):
    return 0.5 * jnp.tanh(0.5 * v) + 0.5


def _lstm_tc(emb_t, w_comb):

    def body(emb_ref, w_ref, out_ref, xh_ref, c_ref):
        t = pl.program_id(0)

        @pl.when(t == 0)
        def _init():
            row = lax.broadcasted_iota(jnp.int32, (_KDIM - EMB, BATCH), 0)
            xh_ref[EMB:_KDIM] = jnp.where(row == HID, 1.0, 0.0)
            c_ref[...] = jnp.zeros((HID, BATCH), jnp.float32)

        w = w_ref[...]
        x4t = emb_ref[...].reshape(BATCH // 4, 4 * EMB).T
        for j in range(4):
            q = pl.ds(j * (BATCH // 4), BATCH // 4)
            xh_ref[0:EMB, q] = x4t[j * EMB:(j + 1) * EMB]
            c = c_ref[:, q]
            gates = jnp.dot(w, xh_ref[:, q],
                            preferred_element_type=jnp.float32)
            i = _sig(gates[0:HID])
            f = _sig(gates[HID:2 * HID])
            g = jnp.tanh(gates[2 * HID:3 * HID])
            o = _sig(gates[3 * HID:4 * HID])
            c2 = f * c + i * g
            h2 = o * jnp.tanh(c2)
            xh_ref[EMB:EMB + HID, q] = h2
            c_ref[:, q] = c2

            @pl.when(t == SEQ - 1)
            def _fin():
                out_ref[:, q] = h2

    return pl.pallas_call(
        body,
        grid=(SEQ,),
        in_specs=[
            pl.BlockSpec((BATCH * EMB,), lambda i: (i,)),
            pl.BlockSpec((4 * HID, _KDIM), lambda i: (0, 0)),
        ],
        out_specs=pl.BlockSpec((HID, BATCH), lambda i: (0, 0)),
        out_shape=jax.ShapeDtypeStruct((HID, BATCH), jnp.float32),
        scratch_shapes=[
            pltpu.VMEM((_KDIM, BATCH), jnp.float32),
            pltpu.VMEM((HID, BATCH), jnp.float32),
        ],
    )(emb_t, w_comb)


def kernel(x, table, W_ih, W_hh, b_ih, b_hh):
    idxp = x.T.reshape(SEQ, 4, BATCH // 4).transpose(0, 2, 1)
    idx3d = idxp.reshape(_NW * _NCH, _CH, _GC)
    emb = _gather_sc(idx3d, table)
    emb_t = emb.reshape(SEQ * BATCH * EMB)
    w_comb = jnp.concatenate(
        [W_ih, W_hh, (b_ih + b_hh).reshape(4 * HID, 1),
         jnp.zeros((4 * HID, _KDIM - EMB - HID - 1), jnp.float32)],
        axis=1,
    )
    return _lstm_tc(emb_t, w_comb).T

# --- scband reference (transcript-rebuilt; emitter-appended) ---
"""Pipeline reference for scband-phonetic-encoder-65618510348889 (READ-ONLY COPY).

The authoritative reference and input builder live on the scoring server;
editing this copy changes nothing except your own understanding.
"""

import jax, jax.numpy as jnp
import numpy as np

VOCAB = 100000
EMB = 32
HID = 64
B = 4096
L = 50

def setup_inputs(seed: int = 0) -> dict:
    key = jax.random.key(seed)
    k1, k2, k3, k4, k5, k6 = jax.random.split(key, 6)
    x = jax.random.randint(k1, (B, L), 0, VOCAB + 1, dtype=jnp.int64 if jax.config.jax_enable_x64 else jnp.int32)
    x = x.astype(jnp.int32)
    table = jax.random.normal(k2, (VOCAB + 1, EMB), dtype=jnp.float32) * 0.02
    table = table.at[0].set(0.0)  # padding_idx=0
    s = 1.0 / np.sqrt(HID)
    W_ih = jax.random.uniform(k3, (4 * HID, EMB), dtype=jnp.float32, minval=-s, maxval=s)
    W_hh = jax.random.uniform(k4, (4 * HID, HID), dtype=jnp.float32, minval=-s, maxval=s)
    b_ih = jax.random.uniform(k5, (4 * HID,), dtype=jnp.float32, minval=-s, maxval=s)
    b_hh = jax.random.uniform(k6, (4 * HID,), dtype=jnp.float32, minval=-s, maxval=s)
    return {"x": x, "table": table, "W_ih": W_ih, "W_hh": W_hh, "b_ih": b_ih, "b_hh": b_hh}

def _lstm_last_h(emb, W_ih, W_hh, b_ih, b_hh):
    batch = emb.shape[0]
    h0 = jnp.zeros((batch, HID), dtype=emb.dtype)
    c0 = jnp.zeros((batch, HID), dtype=emb.dtype)
    def step(carry, x_t):
        h, c = carry
        gates = x_t @ W_ih.T + h @ W_hh.T + b_ih + b_hh
        i, f, g, o = jnp.split(gates, 4, axis=-1)
        i = jax.nn.sigmoid(i)
        f = jax.nn.sigmoid(f)
        g = jnp.tanh(g)
        o = jax.nn.sigmoid(o)
        c_new = f * c + i * g
        h_new = o * jnp.tanh(c_new)
        return (h_new, c_new), None
    emb_t = jnp.transpose(emb, (1, 0, 2))  # [L, B, E]
    (h_final, _), _ = jax.lax.scan(step, (h0, c0), emb_t)
    return h_final

def reference(x, table, W_ih, W_hh, b_ih, b_hh):
    # embedding lookup (gather), padding row 0 is zeros
    emb = jnp.take(table, x, axis=0)  # [B, L, EMB]
    h_last = _lstm_last_h(emb, W_ih, W_hh, b_ih, b_hh)  # == h[-1] of torch LSTM
    return h_last

if __name__ == "__main__":
    import jax
    _d = setup_inputs()
    print(jax.jit(kernel)(*tuple(_d.values())))

</pallas_src>

<mosaic_0001>
#map = affine_map<(d0, d1) -> (0, 0, 0)>
#map1 = affine_map<(d0, d1) -> (0, 0)>
module attributes {stable_mosaic.version = 14 : i64} {
  func.func @k(%arg0: i32, %arg1: i32, %arg2: memref<160x10x128xi32, #tpu.memory_space<hbm>>, %arg3: memref<100001x32xf32, #tpu.memory_space<hbm>>, %arg4: memref<204800x32xf32, #tpu.memory_space<hbm>>, %arg5: memref<10x128xi32, #tpu.memory_space<vmem>>, %arg6: memref<1280x32xf32, #tpu.memory_space<vmem>>, %arg7: memref<!tpu.dma_semaphore, #tpu.memory_space<semaphore_mem>>) attributes {dimension_semantics = [#tpu.dimension_semantics<core_parallel>, #tpu.dimension_semantics<subcore_parallel>], iteration_bounds = array<i64: 2, 16>, scalar_prefetch = 0 : i64, scratch_operands = 3 : i64, tpu.core_type = #tpu.core_type<sc_vector_subcore>, window_params = [{transform_indices = #map}, {transform_indices = #map1}, {transform_indices = #map1}]} {
    %mul3A = arith.constant 2 : i32
    %mul3A_0 = arith.muli %arg1, %mul3A : i32
    %add3A = arith.addi %mul3A_0, %arg0 : i32
    %scan3A = arith.constant 0 : i32
    %scan3A_1 = arith.constant 0 : i32
    %scan3A_2 = arith.constant 5 : i32
    %scan3A_3 = arith.addi %scan3A_1, %scan3A_2 : i32
    %scan3A_4 = arith.constant 1 : i32
    scf.for %scan3A_6 = %scan3A_1 to %scan3A_3 step %scan3A_4  : i32 {
      %mul3A_7 = arith.constant 5 : i32
      %mul3A_8 = arith.muli %add3A, %mul3A_7 : i32
      %add3A_9 = arith.addi %mul3A_8, %scan3A_6 : i32
      "tpu.region"() ({
        %run_scoped3A = tpu.sem_alloc : memref<!tpu.dma_semaphore, #tpu.memory_space<semaphore_mem>>
        %dma_start3A_210 = arith.constant 0 : i32
        %dma_start3A_211 = arith.constant 0 : i32
        %dma_start3A_212 = tpu.memref_slice %arg2[%add3A_9, %dma_start3A_210, %dma_start3A_211] : memref<160x10x128xi32, #tpu.memory_space<hbm>> -> memref<1x10x128xi32, #tpu.memory_space<hbm>>
        %dma_start3A_213 = tpu.memref_squeeze %dma_start3A_212 : memref<1x10x128xi32, #tpu.memory_space<hbm>> -> memref<10x128xi32, #tpu.memory_space<hbm>>
        %dma_start3A_214 = arith.constant 0 : i32
        %dma_start3A_215 = arith.constant 0 : i32
        %dma_start3A_216 = tpu.memref_slice %arg2[%add3A_9, %dma_start3A_214, %dma_start3A_215] : memref<160x10x128xi32, #tpu.memory_space<hbm>> -> memref<1x10x128xi32, #tpu.memory_space<hbm>>
        %dma_start3A_217 = tpu.memref_squeeze %dma_start3A_216 : memref<1x10x128xi32, #tpu.memory_space<hbm>> -> memref<10x128xi32, #tpu.memory_space<hbm>>
        tpu.enqueue_dma source(%dma_start3A_217 : memref<10x128xi32, #tpu.memory_space<hbm>>) target(%arg5 : memref<10x128xi32, #tpu.memory_space<vmem>>) target_semaphore(%run_scoped3A : memref<!tpu.dma_semaphore, #tpu.memory_space<semaphore_mem>>)
        %dma_wait3A_218 = arith.constant 0 : i32
        %dma_wait3A_219 = arith.constant 0 : i32
        %dma_wait3A_220 = tpu.memref_slice %arg2[%add3A_9, %dma_wait3A_218, %dma_wait3A_219] : memref<160x10x128xi32, #tpu.memory_space<hbm>> -> memref<1x10x128xi32, #tpu.memory_space<hbm>>
        %dma_wait3A_221 = tpu.memref_squeeze %dma_wait3A_220 : memref<1x10x128xi32, #tpu.memory_space<hbm>> -> memref<10x128xi32, #tpu.memory_space<hbm>>
        %dma_wait3A_222 = arith.constant 0 : i32
        %dma_wait3A_223 = arith.constant 0 : i32
        %dma_wait3A_224 = tpu.memref_slice %arg2[%add3A_9, %dma_wait3A_222, %dma_wait3A_223] : memref<160x10x128xi32, #tpu.memory_space<hbm>> -> memref<1x10x128xi32, #tpu.memory_space<hbm>>
        %dma_wait3A_225 = tpu.memref_squeeze %dma_wait3A_224 : memref<1x10x128xi32, #tpu.memory_space<hbm>> -> memref<10x128xi32, #tpu.memory_space<hbm>>
        tpu.wait_dma2 semaphore(%run_scoped3A : memref<!tpu.dma_semaphore, #tpu.memory_space<semaphore_mem>>) src(%dma_wait3A_225 : memref<10x128xi32, #tpu.memory_space<hbm>>) dst(%arg5 : memref<10x128xi32, #tpu.memory_space<vmem>>)
        tpu.yield
      }) : () -> ()
      %dma_start3A = arith.constant 0 : i32
      %dma_start3A_10 = arith.constant 0 : i32
      %dma_start3A_11 = arith.constant 0 : i32
      %dma_start3A_12 = tpu.memref_slice %arg6[%dma_start3A_10, %dma_start3A_11] : memref<1280x32xf32, #tpu.memory_space<vmem>> -> memref<128x32xf32, #tpu.memory_space<vmem>>
      %dma_start3A_13 = arith.constant 0 : i32
      %dma_start3A_14 = tpu.memref_slice %arg5[%dma_start3A, %dma_start3A_13] : memref<10x128xi32, #tpu.memory_space<vmem>> -> memref<1x128xi32, #tpu.memory_space<vmem>>
      %dma_start3A_15 = tpu.memref_squeeze %dma_start3A_14 : memref<1x128xi32, #tpu.memory_space<vmem>> -> memref<128xi32, #tpu.memory_space<vmem>>
      %dma_start3A_16 = arith.constant 0 : i32
      %dma_start3A_17 = arith.constant 0 : i32
      %dma_start3A_18 = tpu.memref_slice %arg3[%dma_start3A_16, %dma_start3A_17] : memref<100001x32xf32, #tpu.memory_space<hbm>> -> memref<100001x32xf32, #tpu.memory_space<hbm>>
      tpu.enqueue_indirect_dma source(%dma_start3A_18 : memref<100001x32xf32, #tpu.memory_space<hbm>>) target(%dma_start3A_12 : memref<128x32xf32, #tpu.memory_space<vmem>>) offsets(%dma_start3A_15 : memref<128xi32, #tpu.memory_space<vmem>>) semaphore(%arg7 : memref<!tpu.dma_semaphore, #tpu.memory_space<semaphore_mem>>)
      %dma_start3A_19 = arith.constant 1 : i32
      %dma_start3A_20 = arith.constant 128 : i32
      %dma_start3A_21 = arith.constant 0 : i32
      %dma_start3A_22 = tpu.memref_slice %arg6[%dma_start3A_20, %dma_start3A_21] : memref<1280x32xf32, #tpu.memory_space<vmem>> -> memref<128x32xf32, #tpu.memory_space<vmem>>
      %dma_start3A_23 = arith.constant 0 : i32
      %dma_start3A_24 = tpu.memref_slice %arg5[%dma_start3A_19, %dma_start3A_23] : memref<10x128xi32, #tpu.memory_space<vmem>> -> memref<1x128xi32, #tpu.memory_space<vmem>>
      %dma_start3A_25 = tpu.memref_squeeze %dma_start3A_24 : memref<1x128xi32, #tpu.memory_space<vmem>> -> memref<128xi32, #tpu.memory_space<vmem>>
      %dma_start3A_26 = arith.constant 0 : i32
      %dma_start3A_27 = arith.constant 0 : i32
      %dma_start3A_28 = tpu.memref_slice %arg3[%dma_start3A_26, %dma_start3A_27] : memref<100001x32xf32, #tpu.memory_space<hbm>> -> memref<100001x32xf32, #tpu.memory_space<hbm>>
      tpu.enqueue_indirect_dma source(%dma_start3A_28 : memref<100001x32xf32, #tpu.memory_space<hbm>>) target(%dma_start3A_22 : memref<128x32xf32, #tpu.memory_space<vmem>>) offsets(%dma_start3A_25 : memref<128xi32, #tpu.memory_space<vmem>>) semaphore(%arg7 : memref<!tpu.dma_semaphore, #tpu.memory_space<semaphore_mem>>)
      %dma_start3A_29 = arith.constant 2 : i32
      %dma_start3A_30 = arith.constant 256 : i32
      %dma_start3A_31 = arith.constant 0 : i32
      %dma_start3A_32 = tpu.memref_slice %arg6[%dma_start3A_30, %dma_start3A_31] : memref<1280x32xf32, #tpu.memory_space<vmem>> -> memref<128x32xf32, #tpu.memory_space<vmem>>
      %dma_start3A_33 = arith.constant 0 : i32
      %dma_start3A_34 = tpu.memref_slice %arg5[%dma_start3A_29, %dma_start3A_33] : memref<10x128xi32, #tpu.memory_space<vmem>> -> memref<1x128xi32, #tpu.memory_space<vmem>>
      %dma_start3A_35 = tpu.memref_squeeze %dma_start3A_34 : memref<1x128xi32, #tpu.memory_space<vmem>> -> memref<128xi32, #tpu.memory_space<vmem>>
      %dma_start3A_36 = arith.constant 0 : i32
      %dma_start3A_37 = arith.constant 0 : i32
      %dma_start3A_38 = tpu.memref_slice %arg3[%dma_start3A_36, %dma_start3A_37] : memref<100001x32xf32, #tpu.memory_space<hbm>> -> memref<100001x32xf32, #tpu.memory_space<hbm>>
      tpu.enqueue_indirect_dma source(%dma_start3A_38 : memref<100001x32xf32, #tpu.memory_space<hbm>>) target(%dma_start3A_32 : memref<128x32xf32, #tpu.memory_space<vmem>>) offsets(%dma_start3A_35 : memref<128xi32, #tpu.memory_space<vmem>>) semaphore(%arg7 : memref<!tpu.dma_semaphore, #tpu.memory_space<semaphore_mem>>)
      %dma_start3A_39 = arith.constant 3 : i32
      %dma_start3A_40 = arith.constant 384 : i32
      %dma_start3A_41 = arith.constant 0 : i32
      %dma_start3A_42 = tpu.memref_slice %arg6[%dma_start3A_40, %dma_start3A_41] : memref<1280x32xf32, #tpu.memory_space<vmem>> -> memref<128x32xf32, #tpu.memory_space<vmem>>
      %dma_start3A_43 = arith.constant 0 : i32
      %dma_start3A_44 = tpu.memref_slice %arg5[%dma_start3A_39, %dma_start3A_43] : memref<10x128xi32, #tpu.memory_space<vmem>> -> memref<1x128xi32, #tpu.memory_space<vmem>>
      %dma_start3A_45 = tpu.memref_squeeze %dma_start3A_44 : memref<1x128xi32, #tpu.memory_space<vmem>> -> memref<128xi32, #tpu.memory_space<vmem>>
      %dma_start3A_46 = arith.constant 0 : i32
      %dma_start3A_47 = arith.constant 0 : i32
      %dma_start3A_48 = tpu.memref_slice %arg3[%dma_start3A_46, %dma_start3A_47] : memref<100001x32xf32, #tpu.memory_space<hbm>> -> memref<100001x32xf32, #tpu.memory_space<hbm>>
      tpu.enqueue_indirect_dma source(%dma_start3A_48 : memref<100001x32xf32, #tpu.memory_space<hbm>>) target(%dma_start3A_42 : memref<128x32xf32, #tpu.memory_space<vmem>>) offsets(%dma_start3A_45 : memref<128xi32, #tpu.memory_space<vmem>>) semaphore(%arg7 : memref<!tpu.dma_semaphore, #tpu.memory_space<semaphore_mem>>)
      %dma_start3A_49 = arith.constant 4 : i32
      %dma_start3A_50 = arith.constant 512 : i32
      %dma_start3A_51 = arith.constant 0 : i32
      %dma_start3A_52 = tpu.memref_slice %arg6[%dma_start3A_50, %dma_start3A_51] : memref<1280x32xf32, #tpu.memory_space<vmem>> -> memref<128x32xf32, #tpu.memory_space<vmem>>
      %dma_start3A_53 = arith.constant 0 : i32
      %dma_start3A_54 = tpu.memref_slice %arg5[%dma_start3A_49, %dma_start3A_53] : memref<10x128xi32, #tpu.memory_space<vmem>> -> memref<1x128xi32, #tpu.memory_space<vmem>>
      %dma_start3A_55 = tpu.memref_squeeze %dma_start3A_54 : memref<1x128xi32, #tpu.memory_space<vmem>> -> memref<128xi32, #tpu.memory_space<vmem>>
      %dma_start3A_56 = arith.constant 0 : i32
      %dma_start3A_57 = arith.constant 0 : i32
      %dma_start3A_58 = tpu.memref_slice %arg3[%dma_start3A_56, %dma_start3A_57] : memref<100001x32xf32, #tpu.memory_space<hbm>> -> memref<100001x32xf32, #tpu.memory_space<hbm>>
      tpu.enqueue_indirect_dma source(%dma_start3A_58 : memref<100001x32xf32, #tpu.memory_space<hbm>>) target(%dma_start3A_52 : memref<128x32xf32, #tpu.memory_space<vmem>>) offsets(%dma_start3A_55 : memref<128xi32, #tpu.memory_space<vmem>>) semaphore(%arg7 : memref<!tpu.dma_semaphore, #tpu.memory_space<semaphore_mem>>)
      %dma_start3A_59 = arith.constant 5 : i32
      %dma_start3A_60 = arith.constant 640 : i32
      %dma_start3A_61 = arith.constant 0 : i32
      %dma_start3A_62 = tpu.memref_slice %arg6[%dma_start3A_60, %dma_start3A_61] : memref<1280x32xf32, #tpu.memory_space<vmem>> -> memref<128x32xf32, #tpu.memory_space<vmem>>
      %dma_start3A_63 = arith.constant 0 : i32
      %dma_start3A_64 = tpu.memref_slice %arg5[%dma_start3A_59, %dma_start3A_63] : memref<10x128xi32, #tpu.memory_space<vmem>> -> memref<1x128xi32, #tpu.memory_space<vmem>>
      %dma_start3A_65 = tpu.memref_squeeze %dma_start3A_64 : memref<1x128xi32, #tpu.memory_space<vmem>> -> memref<128xi32, #tpu.memory_space<vmem>>
      %dma_start3A_66 = arith.constant 0 : i32
      %dma_start3A_67 = arith.constant 0 : i32
      %dma_start3A_68 = tpu.memref_slice %arg3[%dma_start3A_66, %dma_start3A_67] : memref<100001x32xf32, #tpu.memory_space<hbm>> -> memref<100001x32xf32, #tpu.memory_space<hbm>>
      tpu.enqueue_indirect_dma source(%dma_start3A_68 : memref<100001x32xf32, #tpu.memory_space<hbm>>) target(%dma_start3A_62 : memref<128x32xf32, #tpu.memory_space<vmem>>) offsets(%dma_start3A_65 : memref<128xi32, #tpu.memory_space<vmem>>) semaphore(%arg7 : memref<!tpu.dma_semaphore, #tpu.memory_space<semaphore_mem>>)
      %dma_start3A_69 = arith.constant 6 : i32
      %dma_start3A_70 = arith.constant 768 : i32
      %dma_start3A_71 = arith.constant 0 : i32
      %dma_start3A_72 = tpu.memref_slice %arg6[%dma_start3A_70, %dma_start3A_71] : memref<1280x32xf32, #tpu.memory_space<vmem>> -> memref<128x32xf32, #tpu.memory_space<vmem>>
      %dma_start3A_73 = arith.constant 0 : i32
      %dma_start3A_74 = tpu.memref_slice %arg5[%dma_start3A_69, %dma_start3A_73] : memref<10x128xi32, #tpu.memory_space<vmem>> -> memref<1x128xi32, #tpu.memory_space<vmem>>
      %dma_start3A_75 = tpu.memref_squeeze %dma_start3A_74 : memref<1x128xi32, #tpu.memory_space<vmem>> -> memref<128xi32, #tpu.memory_space<vmem>>
      %dma_start3A_76 = arith.constant 0 : i32
      %dma_start3A_77 = arith.constant 0 : i32
      %dma_start3A_78 = tpu.memref_slice %arg3[%dma_start3A_76, %dma_start3A_77] : memref<100001x32xf32, #tpu.memory_space<hbm>> -> memref<100001x32xf32, #tpu.memory_space<hbm>>
      tpu.enqueue_indirect_dma source(%dma_start3A_78 : memref<100001x32xf32, #tpu.memory_space<hbm>>) target(%dma_start3A_72 : memref<128x32xf32, #tpu.memory_space<vmem>>) offsets(%dma_start3A_75 : memref<128xi32, #tpu.memory_space<vmem>>) semaphore(%arg7 : memref<!tpu.dma_semaphore, #tpu.memory_space<semaphore_mem>>)
      %dma_start3A_79 = arith.constant 7 : i32
      %dma_start3A_80 = arith.constant 896 : i32
      %dma_start3A_81 = arith.constant 0 : i32
      %dma_start3A_82 = tpu.memref_slice %arg6[%dma_start3A_80, %dma_start3A_81] : memref<1280x32xf32, #tpu.memory_space<vmem>> -> memref<128x32xf32, #tpu.memory_space<vmem>>
      %dma_start3A_83 = arith.constant 0 : i32
      %dma_start3A_84 = tpu.memref_slice %arg5[%dma_start3A_79, %dma_start3A_83] : memref<10x128xi32, #tpu.memory_space<vmem>> -> memref<1x128xi32, #tpu.memory_space<vmem>>
      %dma_start3A_85 = tpu.memref_squeeze %dma_start3A_84 : memref<1x128xi32, #tpu.memory_space<vmem>> -> memref<128xi32, #tpu.memory_space<vmem>>
      %dma_start3A_86 = arith.constant 0 : i32
      %dma_start3A_87 = arith.constant 0 : i32
      %dma_start3A_88 = tpu.memref_slice %arg3[%dma_start3A_86, %dma_start3A_87] : memref<100001x32xf32, #tpu.memory_space<hbm>> -> memref<100001x32xf32, #tpu.memory_space<hbm>>
      tpu.enqueue_indirect_dma source(%dma_start3A_88 : memref<100001x32xf32, #tpu.memory_space<hbm>>) target(%dma_start3A_82 : memref<128x32xf32, #tpu.memory_space<vmem>>) offsets(%dma_start3A_85 : memref<128xi32, #tpu.memory_space<vmem>>) semaphore(%arg7 : memref<!tpu.dma_semaphore, #tpu.memory_space<semaphore_mem>>)
      %dma_start3A_89 = arith.constant 8 : i32
      %dma_start3A_90 = arith.constant 1024 : i32
      %dma_start3A_91 = arith.constant 0 : i32
      %dma_start3A_92 = tpu.memref_slice %arg6[%dma_start3A_90, %dma_start3A_91] : memref<1280x32xf32, #tpu.memory_space<vmem>> -> memref<128x32xf32, #tpu.memory_space<vmem>>
      %dma_start3A_93 = arith.constant 0 : i32
      %dma_start3A_94 = tpu.memref_slice %arg5[%dma_start3A_89, %dma_start3A_93] : memref<10x128xi32, #tpu.memory_space<vmem>> -> memref<1x128xi32, #tpu.memory_space<vmem>>
      %dma_start3A_95 = tpu.memref_squeeze %dma_start3A_94 : memref<1x128xi32, #tpu.memory_space<vmem>> -> memref<128xi32, #tpu.memory_space<vmem>>
      %dma_start3A_96 = arith.constant 0 : i32
      %dma_start3A_97 = arith.constant 0 : i32
      %dma_start3A_98 = tpu.memref_slice %arg3[%dma_start3A_96, %dma_start3A_97] : memref<100001x32xf32, #tpu.memory_space<hbm>> -> memref<100001x32xf32, #tpu.memory_space<hbm>>
      tpu.enqueue_indirect_dma source(%dma_start3A_98 : memref<100001x32xf32, #tpu.memory_space<hbm>>) target(%dma_start3A_92 : memref<128x32xf32, #tpu.memory_space<vmem>>) offsets(%dma_start3A_95 : memref<128xi32, #tpu.memory_space<vmem>>) semaphore(%arg7 : memref<!tpu.dma_semaphore, #tpu.memory_space<semaphore_mem>>)
      %dma_start3A_99 = arith.constant 9 : i32
      %dma_start3A_100 = arith.constant 1152 : i32
      %dma_start3A_101 = arith.constant 0 : i32
      %dma_start3A_102 = tpu.memref_slice %arg6[%dma_start3A_100, %dma_start3A_101] : memref<1280x32xf32, #tpu.memory_space<vmem>> -> memref<128x32xf32, #tpu.memory_space<vmem>>
      %dma_start3A_103 = arith.constant 0 : i32
      %dma_start3A_104 = tpu.memref_slice %arg5[%dma_start3A_99, %dma_start3A_103] : memref<10x128xi32, #tpu.memory_space<vmem>> -> memref<1x128xi32, #tpu.memory_space<vmem>>
      %dma_start3A_105 = tpu.memref_squeeze %dma_start3A_104 : memref<1x128xi32, #tpu.memory_space<vmem>> -> memref<128xi32, #tpu.memory_space<vmem>>
      %dma_start3A_106 = arith.constant 0 : i32
      %dma_start3A_107 = arith.constant 0 : i32
      %dma_start3A_108 = tpu.memref_slice %arg3[%dma_start3A_106, %dma_start3A_107] : memref<100001x32xf32, #tpu.memory_space<hbm>> -> memref<100001x32xf32, #tpu.memory_space<hbm>>
      tpu.enqueue_indirect_dma source(%dma_start3A_108 : memref<100001x32xf32, #tpu.memory_space<hbm>>) target(%dma_start3A_102 : memref<128x32xf32, #tpu.memory_space<vmem>>) offsets(%dma_start3A_105 : memref<128xi32, #tpu.memory_space<vmem>>) semaphore(%arg7 : memref<!tpu.dma_semaphore, #tpu.memory_space<semaphore_mem>>)
      %dma_wait3A = arith.constant 0 : i32
      %dma_wait3A_109 = arith.constant 0 : i32
      %dma_wait3A_110 = arith.constant 0 : i32
      %dma_wait3A_111 = tpu.memref_slice %arg6[%dma_wait3A_109, %dma_wait3A_110] : memref<1280x32xf32, #tpu.memory_space<vmem>> -> memref<128x32xf32, #tpu.memory_space<vmem>>
      %dma_wait3A_112 = arith.constant 0 : i32
      %dma_wait3A_113 = tpu.memref_slice %arg5[%dma_wait3A, %dma_wait3A_112] : memref<10x128xi32, #tpu.memory_space<vmem>> -> memref<1x128xi32, #tpu.memory_space<vmem>>
      %dma_wait3A_114 = tpu.memref_squeeze %dma_wait3A_113 : memref<1x128xi32, #tpu.memory_space<vmem>> -> memref<128xi32, #tpu.memory_space<vmem>>
      %dma_wait3A_115 = arith.constant 0 : i32
      %dma_wait3A_116 = arith.constant 0 : i32
      %dma_wait3A_117 = tpu.memref_slice %arg3[%dma_wait3A_115, %dma_wait3A_116] : memref<100001x32xf32, #tpu.memory_space<hbm>> -> memref<100001x32xf32, #tpu.memory_space<hbm>>
      tpu.wait_indirect_dma semaphore(%arg7 : memref<!tpu.dma_semaphore, #tpu.memory_space<semaphore_mem>>) src(%dma_wait3A_117 : memref<100001x32xf32, #tpu.memory_space<hbm>>) dst(%dma_wait3A_111 : memref<128x32xf32, #tpu.memory_space<vmem>>)
      %dma_wait3A_118 = arith.constant 1 : i32
      %dma_wait3A_119 = arith.constant 128 : i32
      %dma_wait3A_120 = arith.constant 0 : i32
      %dma_wait3A_121 = tpu.memref_slice %arg6[%dma_wait3A_119, %dma_wait3A_120] : memref<1280x32xf32, #tpu.memory_space<vmem>> -> memref<128x32xf32, #tpu.memory_space<vmem>>
      %dma_wait3A_122 = arith.constant 0 : i32
      %dma_wait3A_123 = tpu.memref_slice %arg5[%dma_wait3A_118, %dma_wait3A_122] : memref<10x128xi32, #tpu.memory_space<vmem>> -> memref<1x128xi32, #tpu.memory_space<vmem>>
      %dma_wait3A_124 = tpu.memref_squeeze %dma_wait3A_123 : memref<1x128xi32, #tpu.memory_space<vmem>> -> memref<128xi32, #tpu.memory_space<vmem>>
      %dma_wait3A_125 = arith.constant 0 : i32
      %dma_wait3A_126 = arith.constant 0 : i32
      %dma_wait3A_127 = tpu.memref_slice %arg3[%dma_wait3A_125, %dma_wait3A_126] : memref<100001x32xf32, #tpu.memory_space<hbm>> -> memref<100001x32xf32, #tpu.memory_space<hbm>>
      tpu.wait_indirect_dma semaphore(%arg7 : memref<!tpu.dma_semaphore, #tpu.memory_space<semaphore_mem>>) src(%dma_wait3A_127 : memref<100001x32xf32, #tpu.memory_space<hbm>>) dst(%dma_wait3A_121 : memref<128x32xf32, #tpu.memory_space<vmem>>)
      %dma_wait3A_128 = arith.constant 2 : i32
      %dma_wait3A_129 = arith.constant 256 : i32
      %dma_wait3A_130 = arith.constant 0 : i32
      %dma_wait3A_131 = tpu.memref_slice %arg6[%dma_wait3A_129, %dma_wait3A_130] : memref<1280x32xf32, #tpu.memory_space<vmem>> -> memref<128x32xf32, #tpu.memory_space<vmem>>
      %dma_wait3A_132 = arith.constant 0 : i32
      %dma_wait3A_133 = tpu.memref_slice %arg5[%dma_wait3A_128, %dma_wait3A_132] : memref<10x128xi32, #tpu.memory_space<vmem>> -> memref<1x128xi32, #tpu.memory_space<vmem>>
      %dma_wait3A_134 = tpu.memref_squeeze %dma_wait3A_133 : memref<1x128xi32, #tpu.memory_space<vmem>> -> memref<128xi32, #tpu.memory_space<vmem>>
      %dma_wait3A_135 = arith.constant 0 : i32
      %dma_wait3A_136 = arith.constant 0 : i32
      %dma_wait3A_137 = tpu.memref_slice %arg3[%dma_wait3A_135, %dma_wait3A_136] : memref<100001x32xf32, #tpu.memory_space<hbm>> -> memref<100001x32xf32, #tpu.memory_space<hbm>>
      tpu.wait_indirect_dma semaphore(%arg7 : memref<!tpu.dma_semaphore, #tpu.memory_space<semaphore_mem>>) src(%dma_wait3A_137 : memref<100001x32xf32, #tpu.memory_space<hbm>>) dst(%dma_wait3A_131 : memref<128x32xf32, #tpu.memory_space<vmem>>)
      %dma_wait3A_138 = arith.constant 3 : i32
      %dma_wait3A_139 = arith.constant 384 : i32
      %dma_wait3A_140 = arith.constant 0 : i32
      %dma_wait3A_141 = tpu.memref_slice %arg6[%dma_wait3A_139, %dma_wait3A_140] : memref<1280x32xf32, #tpu.memory_space<vmem>> -> memref<128x32xf32, #tpu.memory_space<vmem>>
      %dma_wait3A_142 = arith.constant 0 : i32
      %dma_wait3A_143 = tpu.memref_slice %arg5[%dma_wait3A_138, %dma_wait3A_142] : memref<10x128xi32, #tpu.memory_space<vmem>> -> memref<1x128xi32, #tpu.memory_space<vmem>>
      %dma_wait3A_144 = tpu.memref_squeeze %dma_wait3A_143 : memref<1x128xi32, #tpu.memory_space<vmem>> -> memref<128xi32, #tpu.memory_space<vmem>>
      %dma_wait3A_145 = arith.constant 0 : i32
      %dma_wait3A_146 = arith.constant 0 : i32
      %dma_wait3A_147 = tpu.memref_slice %arg3[%dma_wait3A_145, %dma_wait3A_146] : memref<100001x32xf32, #tpu.memory_space<hbm>> -> memref<100001x32xf32, #tpu.memory_space<hbm>>
      tpu.wait_indirect_dma semaphore(%arg7 : memref<!tpu.dma_semaphore, #tpu.memory_space<semaphore_mem>>) src(%dma_wait3A_147 : memref<100001x32xf32, #tpu.memory_space<hbm>>) dst(%dma_wait3A_141 : memref<128x32xf32, #tpu.memory_space<vmem>>)
      %dma_wait3A_148 = arith.constant 4 : i32
      %dma_wait3A_149 = arith.constant 512 : i32
      %dma_wait3A_150 = arith.constant 0 : i32
      %dma_wait3A_151 = tpu.memref_slice %arg6[%dma_wait3A_149, %dma_wait3A_150] : memref<1280x32xf32, #tpu.memory_space<vmem>> -> memref<128x32xf32, #tpu.memory_space<vmem>>
      %dma_wait3A_152 = arith.constant 0 : i32
      %dma_wait3A_153 = tpu.memref_slice %arg5[%dma_wait3A_148, %dma_wait3A_152] : memref<10x128xi32, #tpu.memory_space<vmem>> -> memref<1x128xi32, #tpu.memory_space<vmem>>
      %dma_wait3A_154 = tpu.memref_squeeze %dma_wait3A_153 : memref<1x128xi32, #tpu.memory_space<vmem>> -> memref<128xi32, #tpu.memory_space<vmem>>
      %dma_wait3A_155 = arith.constant 0 : i32
      %dma_wait3A_156 = arith.constant 0 : i32
      %dma_wait3A_157 = tpu.memref_slice %arg3[%dma_wait3A_155, %dma_wait3A_156] : memref<100001x32xf32, #tpu.memory_space<hbm>> -> memref<100001x32xf32, #tpu.memory_space<hbm>>
      tpu.wait_indirect_dma semaphore(%arg7 : memref<!tpu.dma_semaphore, #tpu.memory_space<semaphore_mem>>) src(%dma_wait3A_157 : memref<100001x32xf32, #tpu.memory_space<hbm>>) dst(%dma_wait3A_151 : memref<128x32xf32, #tpu.memory_space<vmem>>)
      %dma_wait3A_158 = arith.constant 5 : i32
      %dma_wait3A_159 = arith.constant 640 : i32
      %dma_wait3A_160 = arith.constant 0 : i32
      %dma_wait3A_161 = tpu.memref_slice %arg6[%dma_wait3A_159, %dma_wait3A_160] : memref<1280x32xf32, #tpu.memory_space<vmem>> -> memref<128x32xf32, #tpu.memory_space<vmem>>
      %dma_wait3A_162 = arith.constant 0 : i32
      %dma_wait3A_163 = tpu.memref_slice %arg5[%dma_wait3A_158, %dma_wait3A_162] : memref<10x128xi32, #tpu.memory_space<vmem>> -> memref<1x128xi32, #tpu.memory_space<vmem>>
      %dma_wait3A_164 = tpu.memref_squeeze %dma_wait3A_163 : memref<1x128xi32, #tpu.memory_space<vmem>> -> memref<128xi32, #tpu.memory_space<vmem>>
      %dma_wait3A_165 = arith.constant 0 : i32
      %dma_wait3A_166 = arith.constant 0 : i32
      %dma_wait3A_167 = tpu.memref_slice %arg3[%dma_wait3A_165, %dma_wait3A_166] : memref<100001x32xf32, #tpu.memory_space<hbm>> -> memref<100001x32xf32, #tpu.memory_space<hbm>>
      tpu.wait_indirect_dma semaphore(%arg7 : memref<!tpu.dma_semaphore, #tpu.memory_space<semaphore_mem>>) src(%dma_wait3A_167 : memref<100001x32xf32, #tpu.memory_space<hbm>>) dst(%dma_wait3A_161 : memref<128x32xf32, #tpu.memory_space<vmem>>)
      %dma_wait3A_168 = arith.constant 6 : i32
      %dma_wait3A_169 = arith.constant 768 : i32
      %dma_wait3A_170 = arith.constant 0 : i32
      %dma_wait3A_171 = tpu.memref_slice %arg6[%dma_wait3A_169, %dma_wait3A_170] : memref<1280x32xf32, #tpu.memory_space<vmem>> -> memref<128x32xf32, #tpu.memory_space<vmem>>
      %dma_wait3A_172 = arith.constant 0 : i32
      %dma_wait3A_173 = tpu.memref_slice %arg5[%dma_wait3A_168, %dma_wait3A_172] : memref<10x128xi32, #tpu.memory_space<vmem>> -> memref<1x128xi32, #tpu.memory_space<vmem>>
      %dma_wait3A_174 = tpu.memref_squeeze %dma_wait3A_173 : memref<1x128xi32, #tpu.memory_space<vmem>> -> memref<128xi32, #tpu.memory_space<vmem>>
      %dma_wait3A_175 = arith.constant 0 : i32
      %dma_wait3A_176 = arith.constant 0 : i32
      %dma_wait3A_177 = tpu.memref_slice %arg3[%dma_wait3A_175, %dma_wait3A_176] : memref<100001x32xf32, #tpu.memory_space<hbm>> -> memref<100001x32xf32, #tpu.memory_space<hbm>>
      tpu.wait_indirect_dma semaphore(%arg7 : memref<!tpu.dma_semaphore, #tpu.memory_space<semaphore_mem>>) src(%dma_wait3A_177 : memref<100001x32xf32, #tpu.memory_space<hbm>>) dst(%dma_wait3A_171 : memref<128x32xf32, #tpu.memory_space<vmem>>)
      %dma_wait3A_178 = arith.constant 7 : i32
      %dma_wait3A_179 = arith.constant 896 : i32
      %dma_wait3A_180 = arith.constant 0 : i32
      %dma_wait3A_181 = tpu.memref_slice %arg6[%dma_wait3A_179, %dma_wait3A_180] : memref<1280x32xf32, #tpu.memory_space<vmem>> -> memref<128x32xf32, #tpu.memory_space<vmem>>
      %dma_wait3A_182 = arith.constant 0 : i32
      %dma_wait3A_183 = tpu.memref_slice %arg5[%dma_wait3A_178, %dma_wait3A_182] : memref<10x128xi32, #tpu.memory_space<vmem>> -> memref<1x128xi32, #tpu.memory_space<vmem>>
      %dma_wait3A_184 = tpu.memref_squeeze %dma_wait3A_183 : memref<1x128xi32, #tpu.memory_space<vmem>> -> memref<128xi32, #tpu.memory_space<vmem>>
      %dma_wait3A_185 = arith.constant 0 : i32
      %dma_wait3A_186 = arith.constant 0 : i32
      %dma_wait3A_187 = tpu.memref_slice %arg3[%dma_wait3A_185, %dma_wait3A_186] : memref<100001x32xf32, #tpu.memory_space<hbm>> -> memref<100001x32xf32, #tpu.memory_space<hbm>>
      tpu.wait_indirect_dma semaphore(%arg7 : memref<!tpu.dma_semaphore, #tpu.memory_space<semaphore_mem>>) src(%dma_wait3A_187 : memref<100001x32xf32, #tpu.memory_space<hbm>>) dst(%dma_wait3A_181 : memref<128x32xf32, #tpu.memory_space<vmem>>)
      %dma_wait3A_188 = arith.constant 8 : i32
      %dma_wait3A_189 = arith.constant 1024 : i32
      %dma_wait3A_190 = arith.constant 0 : i32
      %dma_wait3A_191 = tpu.memref_slice %arg6[%dma_wait3A_189, %dma_wait3A_190] : memref<1280x32xf32, #tpu.memory_space<vmem>> -> memref<128x32xf32, #tpu.memory_space<vmem>>
      %dma_wait3A_192 = arith.constant 0 : i32
      %dma_wait3A_193 = tpu.memref_slice %arg5[%dma_wait3A_188, %dma_wait3A_192] : memref<10x128xi32, #tpu.memory_space<vmem>> -> memref<1x128xi32, #tpu.memory_space<vmem>>
      %dma_wait3A_194 = tpu.memref_squeeze %dma_wait3A_193 : memref<1x128xi32, #tpu.memory_space<vmem>> -> memref<128xi32, #tpu.memory_space<vmem>>
      %dma_wait3A_195 = arith.constant 0 : i32
      %dma_wait3A_196 = arith.constant 0 : i32
      %dma_wait3A_197 = tpu.memref_slice %arg3[%dma_wait3A_195, %dma_wait3A_196] : memref<100001x32xf32, #tpu.memory_space<hbm>> -> memref<100001x32xf32, #tpu.memory_space<hbm>>
      tpu.wait_indirect_dma semaphore(%arg7 : memref<!tpu.dma_semaphore, #tpu.memory_space<semaphore_mem>>) src(%dma_wait3A_197 : memref<100001x32xf32, #tpu.memory_space<hbm>>) dst(%dma_wait3A_191 : memref<128x32xf32, #tpu.memory_space<vmem>>)
      %dma_wait3A_198 = arith.constant 9 : i32
      %dma_wait3A_199 = arith.constant 1152 : i32
      %dma_wait3A_200 = arith.constant 0 : i32
      %dma_wait3A_201 = tpu.memref_slice %arg6[%dma_wait3A_199, %dma_wait3A_200] : memref<1280x32xf32, #tpu.memory_space<vmem>> -> memref<128x32xf32, #tpu.memory_space<vmem>>
      %dma_wait3A_202 = arith.constant 0 : i32
      %dma_wait3A_203 = tpu.memref_slice %arg5[%dma_wait3A_198, %dma_wait3A_202] : memref<10x128xi32, #tpu.memory_space<vmem>> -> memref<1x128xi32, #tpu.memory_space<vmem>>
      %dma_wait3A_204 = tpu.memref_squeeze %dma_wait3A_203 : memref<1x128xi32, #tpu.memory_space<vmem>> -> memref<128xi32, #tpu.memory_space<vmem>>
      %dma_wait3A_205 = arith.constant 0 : i32
      %dma_wait3A_206 = arith.constant 0 : i32
      %dma_wait3A_207 = tpu.memref_slice %arg3[%dma_wait3A_205, %dma_wait3A_206] : memref<100001x32xf32, #tpu.memory_space<hbm>> -> memref<100001x32xf32, #tpu.memory_space<hbm>>
      tpu.wait_indirect_dma semaphore(%arg7 : memref<!tpu.dma_semaphore, #tpu.memory_space<semaphore_mem>>) src(%dma_wait3A_207 : memref<100001x32xf32, #tpu.memory_space<hbm>>) dst(%dma_wait3A_201 : memref<128x32xf32, #tpu.memory_space<vmem>>)
      %mul3A_208 = arith.constant 1280 : i32
      %mul3A_209 = arith.muli %add3A_9, %mul3A_208 : i32
      "tpu.region"() ({
        %run_scoped3A = tpu.sem_alloc : memref<!tpu.dma_semaphore, #tpu.memory_space<semaphore_mem>>
        %dma_start3A_210 = arith.constant 0 : i32
        %dma_start3A_211 = tpu.memref_slice %arg4[%mul3A_209, %dma_start3A_210] : memref<204800x32xf32, #tpu.memory_space<hbm>> -> memref<1280x32xf32, #tpu.memory_space<hbm>>
        %dma_start3A_212 = arith.constant 0 : i32
        %dma_start3A_213 = tpu.memref_slice %arg4[%mul3A_209, %dma_start3A_212] : memref<204800x32xf32, #tpu.memory_space<hbm>> -> memref<1280x32xf32, #tpu.memory_space<hbm>>
        tpu.enqueue_dma source(%arg6 : memref<1280x32xf32, #tpu.memory_space<vmem>>) target(%dma_start3A_213 : memref<1280x32xf32, #tpu.memory_space<hbm>>) target_semaphore(%run_scoped3A : memref<!tpu.dma_semaphore, #tpu.memory_space<semaphore_mem>>)
        %dma_wait3A_214 = arith.constant 0 : i32
        %dma_wait3A_215 = tpu.memref_slice %arg4[%mul3A_209, %dma_wait3A_214] : memref<204800x32xf32, #tpu.memory_space<hbm>> -> memref<1280x32xf32, #tpu.memory_space<hbm>>
        %dma_wait3A_216 = arith.constant 0 : i32
        %dma_wait3A_217 = tpu.memref_slice %arg4[%mul3A_209, %dma_wait3A_216] : memref<204800x32xf32, #tpu.memory_space<hbm>> -> memref<1280x32xf32, #tpu.memory_space<hbm>>
        tpu.wait_dma2 semaphore(%run_scoped3A : memref<!tpu.dma_semaphore, #tpu.memory_space<semaphore_mem>>) src(%arg6 : memref<1280x32xf32, #tpu.memory_space<vmem>>) dst(%dma_wait3A_217 : memref<1280x32xf32, #tpu.memory_space<hbm>>)
        tpu.yield
      }) : () -> ()
    }
    %scan3A_5 = arith.constant 5 : i32
    return
  }
}

module attributes {stable_mosaic.version = 14 : i64} {
  func.func @body(%arg0: i32, %arg1: memref<131072xf32, #tpu.memory_space<vmem>>, %arg2: memref<256x104xf32, #tpu.memory_space<vmem>>, %arg3: memref<64x4096xf32, #tpu.memory_space<vmem>>, %arg4: memref<104x4096xf32, #tpu.memory_space<vmem>>, %arg5: memref<64x4096xf32, #tpu.memory_space<vmem>>) attributes {dimension_semantics = [#tpu.dimension_semantics<arbitrary>], iteration_bounds = array<i64: 50>, scalar_prefetch = 0 : i64, scratch_operands = 2 : i64, tpu.core_type = #tpu.core_type<tc>, window_params = [{transform_indices = @transform_0, window_bounds = array<i64: 131072>}, {pipeline_mode = #tpu.pipeline_mode<synchronous>, transform_indices = @transform_1, window_bounds = array<i64: 256, 104>}, {pipeline_mode = #tpu.pipeline_mode<synchronous>, transform_indices = @transform_2, window_bounds = array<i64: 64, 4096>}]} {
    %eq3A = arith.constant 0 : i32
    %eq3A_0 = arith.cmpi eq, %arg0, %eq3A : i32
    %convert_element_type3A = arith.extui %eq3A_0 : i1 to i32
    %cond3A = arith.constant 0 : i32
    %cond3A_1 = arith.cmpi ne, %convert_element_type3A, %cond3A : i32
    scf.if %cond3A_1 {
      %iota3A = tpu.iota {dimensions = array<i32: 0>} : vector<72x4096xi32>
      %eq3A_252 = arith.constant 64 : i32
      %eq3A_253 = vector.broadcast %eq3A_252 : i32 to vector<72x4096xi32>
      %eq3A_254 = arith.cmpi eq, %iota3A, %eq3A_253 : vector<72x4096xi32>
      %jit3A = arith.constant 1.000000e+00 : f32
      %jit3A_255 = arith.constant 0.000000e+00 : f32
      %broadcast_in_dim3A = vector.broadcast %jit3A : f32 to vector<72x4096xf32>
      %broadcast_in_dim3A_256 = vector.broadcast %jit3A_255 : f32 to vector<72x4096xf32>
      %select_n3A = arith.select %eq3A_254, %broadcast_in_dim3A, %broadcast_in_dim3A_256 : vector<72x4096xi1>, vector<72x4096xf32>
      %swap3A_257 = arith.constant 32 : index
      %swap3A_258 = arith.constant 0 : index
      %swap3A_259 = vector.load %arg4[%swap3A_257, %swap3A_258] : memref<104x4096xf32, #tpu.memory_space<vmem>>, vector<72x4096xf32>
      tpu.vector_store %arg4[%swap3A_257, %swap3A_258], %select_n3A {strides = array<i32>} : memref<104x4096xf32, #tpu.memory_space<vmem>>, vector<72x4096xf32>,
      %broadcast_in_dim3A_260 = arith.constant 0.000000e+00 : f32
      %broadcast_in_dim3A_261 = vector.broadcast %broadcast_in_dim3A_260 : f32 to vector<64x4096xf32>
      %swap3A_262 = arith.constant 0 : index
      %swap3A_263 = arith.constant 0 : index
      %swap3A_264 = vector.load %arg5[%swap3A_262, %swap3A_263] : memref<64x4096xf32, #tpu.memory_space<vmem>>, vector<64x4096xf32>
      tpu.vector_store %arg5[%swap3A_262, %swap3A_263], %broadcast_in_dim3A_261 {strides = array<i32>} : memref<64x4096xf32, #tpu.memory_space<vmem>>, vector<64x4096xf32>,
    } else {
    }
    %get3A = arith.constant 0 : index
    %get3A_2 = arith.constant 0 : index
    %get3A_3 = vector.load %arg2[%get3A, %get3A_2] : memref<256x104xf32, #tpu.memory_space<vmem>>, vector<256x104xf32>
    %get3A_4 = arith.constant 0 : index
    %get3A_5 = vector.load %arg1[%get3A_4] : memref<131072xf32, #tpu.memory_space<vmem>>, vector<131072xf32>
    %reshape3A = vector.shape_cast %get3A_5 : vector<131072xf32> to vector<1024x128xf32>
    %transpose3A = tpu.transpose %reshape3A, [1, 0] : vector<1024x128xf32> -> vector<128x1024xf32>
    %slice3A = vector.extract_strided_slice %transpose3A {offsets = [0, 0], sizes = [32, 1024], strides = [1, 1]} : vector<128x1024xf32> to vector<32x1024xf32>
    %swap3A = arith.constant 0 : index
    %swap3A_6 = arith.constant 0 : index
    %swap3A_7 = vector.load %arg4[%swap3A, %swap3A_6] : memref<104x4096xf32, #tpu.memory_space<vmem>>, vector<32x1024xf32>
    tpu.vector_store %arg4[%swap3A, %swap3A_6], %slice3A {strides = array<i32>} : memref<104x4096xf32, #tpu.memory_space<vmem>>, vector<32x1024xf32>,
    %get3A_8 = arith.constant 0 : index
    %get3A_9 = arith.constant 0 : index
    %get3A_10 = vector.load %arg5[%get3A_8, %get3A_9] : memref<64x4096xf32, #tpu.memory_space<vmem>>, vector<64x1024xf32>
    %get3A_11 = arith.constant 0 : index
    %get3A_12 = arith.constant 0 : index
    %get3A_13 = vector.load %arg4[%get3A_11, %get3A_12] : memref<104x4096xf32, #tpu.memory_space<vmem>>, vector<104x1024xf32>
    %dot_general3A = arith.constant dense<0.000000e+00> : vector<256x1024xf32>
    %dot_general3A_14 = tpu.matmul %get3A_3, %get3A_13, %dot_general3A {dimension_numbers = #tpu.dot_dimension_numbers<[1], [0], [0], [1], [0, 0, 1, 1], [], []>, transpose_lhs_hint = false} : vector<256x104xf32>, vector<104x1024xf32>, vector<256x1024xf32> -> vector<256x1024xf32>
    %slice3A_15 = vector.extract_strided_slice %dot_general3A_14 {offsets = [0, 0], sizes = [64, 1024], strides = [1, 1]} : vector<256x1024xf32> to vector<64x1024xf32>
    %mul3A = arith.constant 5.000000e-01 : f32
    %mul3A_16 = vector.broadcast %mul3A : f32 to vector<64x1024xf32>
    %mul3A_17 = arith.mulf %mul3A_16, %slice3A_15 : vector<64x1024xf32>
    %tanh3A = math.tanh %mul3A_17 : vector<64x1024xf32>
    %mul3A_18 = arith.constant 5.000000e-01 : f32
    %mul3A_19 = vector.broadcast %mul3A_18 : f32 to vector<64x1024xf32>
    %mul3A_20 = arith.mulf %mul3A_19, %tanh3A : vector<64x1024xf32>
    %add3A = arith.constant 5.000000e-01 : f32
    %add3A_21 = vector.broadcast %add3A : f32 to vector<64x1024xf32>
    %add3A_22 = arith.addf %mul3A_20, %add3A_21 : vector<64x1024xf32>
    %slice3A_23 = vector.extract_strided_slice %dot_general3A_14 {offsets = [64, 0], sizes = [64, 1024], strides = [1, 1]} : vector<256x1024xf32> to vector<64x1024xf32>
    %mul3A_24 = arith.constant 5.000000e-01 : f32
    %mul3A_25 = vector.broadcast %mul3A_24 : f32 to vector<64x1024xf32>
    %mul3A_26 = arith.mulf %mul3A_25, %slice3A_23 : vector<64x1024xf32>
    %tanh3A_27 = math.tanh %mul3A_26 : vector<64x1024xf32>
    %mul3A_28 = arith.constant 5.000000e-01 : f32
    %mul3A_29 = vector.broadcast %mul3A_28 : f32 to vector<64x1024xf32>
    %mul3A_30 = arith.mulf %mul3A_29, %tanh3A_27 : vector<64x1024xf32>
    %add3A_31 = arith.constant 5.000000e-01 : f32
    %add3A_32 = vector.broadcast %add3A_31 : f32 to vector<64x1024xf32>
    %add3A_33 = arith.addf %mul3A_30, %add3A_32 : vector<64x1024xf32>
    %slice3A_34 = vector.extract_strided_slice %dot_general3A_14 {offsets = [128, 0], sizes = [64, 1024], strides = [1, 1]} : vector<256x1024xf32> to vector<64x1024xf32>
    %tanh3A_35 = math.tanh %slice3A_34 : vector<64x1024xf32>
    %slice3A_36 = vector.extract_strided_slice %dot_general3A_14 {offsets = [192, 0], sizes = [64, 1024], strides = [1, 1]} : vector<256x1024xf32> to vector<64x1024xf32>
    %mul3A_37 = arith.constant 5.000000e-01 : f32
    %mul3A_38 = vector.broadcast %mul3A_37 : f32 to vector<64x1024xf32>
    %mul3A_39 = arith.mulf %mul3A_38, %slice3A_36 : vector<64x1024xf32>
    %tanh3A_40 = math.tanh %mul3A_39 : vector<64x1024xf32>
    %mul3A_41 = arith.constant 5.000000e-01 : f32
    %mul3A_42 = vector.broadcast %mul3A_41 : f32 to vector<64x1024xf32>
    %mul3A_43 = arith.mulf %mul3A_42, %tanh3A_40 : vector<64x1024xf32>
    %add3A_44 = arith.constant 5.000000e-01 : f32
    %add3A_45 = vector.broadcast %add3A_44 : f32 to vector<64x1024xf32>
    %add3A_46 = arith.addf %mul3A_43, %add3A_45 : vector<64x1024xf32>
    %mul3A_47 = arith.mulf %add3A_33, %get3A_10 : vector<64x1024xf32>
    %mul3A_48 = arith.mulf %add3A_22, %tanh3A_35 : vector<64x1024xf32>
    %add3A_49 = arith.addf %mul3A_47, %mul3A_48 : vector<64x1024xf32>
    %tanh3A_50 = math.tanh %add3A_49 : vector<64x1024xf32>
    %mul3A_51 = arith.mulf %add3A_46, %tanh3A_50 : vector<64x1024xf32>
    %swap3A_52 = arith.constant 32 : index
    %swap3A_53 = arith.constant 0 : index
    %swap3A_54 = vector.load %arg4[%swap3A_52, %swap3A_53] : memref<104x4096xf32, #tpu.memory_space<vmem>>, vector<64x1024xf32>
    tpu.vector_store %arg4[%swap3A_52, %swap3A_53], %mul3A_51 {strides = array<i32>} : memref<104x4096xf32, #tpu.memory_space<vmem>>, vector<64x1024xf32>,
    %swap3A_55 = arith.constant 0 : index
    %swap3A_56 = arith.constant 0 : index
    %swap3A_57 = vector.load %arg5[%swap3A_55, %swap3A_56] : memref<64x4096xf32, #tpu.memory_space<vmem>>, vector<64x1024xf32>
    tpu.vector_store %arg5[%swap3A_55, %swap3A_56], %add3A_49 {strides = array<i32>} : memref<64x4096xf32, #tpu.memory_space<vmem>>, vector<64x1024xf32>,
    %eq3A_58 = arith.constant 49 : i32
    %eq3A_59 = arith.cmpi eq, %arg0, %eq3A_58 : i32
    %convert_element_type3A_60 = arith.extui %eq3A_59 : i1 to i32
    %cond3A_61 = arith.constant 0 : i32
    %cond3A_62 = arith.cmpi ne, %convert_element_type3A_60, %cond3A_61 : i32
    scf.if %cond3A_62 {
      %swap3A_252 = arith.constant 0 : index
      %swap3A_253 = arith.constant 0 : index
      %swap3A_254 = vector.load %arg3[%swap3A_252, %swap3A_253] : memref<64x4096xf32, #tpu.memory_space<vmem>>, vector<64x1024xf32>
      tpu.vector_store %arg3[%swap3A_252, %swap3A_253], %mul3A_51 {strides = array<i32>} : memref<64x4096xf32, #tpu.memory_space<vmem>>, vector<64x1024xf32>,
    } else {
    }
    %slice3A_63 = vector.extract_strided_slice %transpose3A {offsets = [32, 0], sizes = [32, 1024], strides = [1, 1]} : vector<128x1024xf32> to vector<32x1024xf32>
    %swap3A_64 = arith.constant 0 : index
    %swap3A_65 = arith.constant 1024 : index
    %swap3A_66 = vector.load %arg4[%swap3A_64, %swap3A_65] : memref<104x4096xf32, #tpu.memory_space<vmem>>, vector<32x1024xf32>
    tpu.vector_store %arg4[%swap3A_64, %swap3A_65], %slice3A_63 {strides = array<i32>} : memref<104x4096xf32, #tpu.memory_space<vmem>>, vector<32x1024xf32>,
    %get3A_67 = arith.constant 0 : index
    %get3A_68 = arith.constant 1024 : index
    %get3A_69 = vector.load %arg5[%get3A_67, %get3A_68] : memref<64x4096xf32, #tpu.memory_space<vmem>>, vector<64x1024xf32>
    %get3A_70 = arith.constant 0 : index
    %get3A_71 = arith.constant 1024 : index
    %get3A_72 = vector.load %arg4[%get3A_70, %get3A_71] : memref<104x4096xf32, #tpu.memory_space<vmem>>, vector<104x1024xf32>
    %dot_general3A_73 = arith.constant dense<0.000000e+00> : vector<256x1024xf32>
    %dot_general3A_74 = tpu.matmul %get3A_3, %get3A_72, %dot_general3A_73 {dimension_numbers = #tpu.dot_dimension_numbers<[1], [0], [0], [1], [0, 0, 1, 1], [], []>, transpose_lhs_hint = false} : vector<256x104xf32>, vector<104x1024xf32>, vector<256x1024xf32> -> vector<256x1024xf32>
    %slice3A_75 = vector.extract_strided_slice %dot_general3A_74 {offsets = [0, 0], sizes = [64, 1024], strides = [1, 1]} : vector<256x1024xf32> to vector<64x1024xf32>
    %mul3A_76 = arith.constant 5.000000e-01 : f32
    %mul3A_77 = vector.broadcast %mul3A_76 : f32 to vector<64x1024xf32>
    %mul3A_78 = arith.mulf %mul3A_77, %slice3A_75 : vector<64x1024xf32>
    %tanh3A_79 = math.tanh %mul3A_78 : vector<64x1024xf32>
    %mul3A_80 = arith.constant 5.000000e-01 : f32
    %mul3A_81 = vector.broadcast %mul3A_80 : f32 to vector<64x1024xf32>
    %mul3A_82 = arith.mulf %mul3A_81, %tanh3A_79 : vector<64x1024xf32>
    %add3A_83 = arith.constant 5.000000e-01 : f32
    %add3A_84 = vector.broadcast %add3A_83 : f32 to vector<64x1024xf32>
    %add3A_85 = arith.addf %mul3A_82, %add3A_84 : vector<64x1024xf32>
    %slice3A_86 = vector.extract_strided_slice %dot_general3A_74 {offsets = [64, 0], sizes = [64, 1024], strides = [1, 1]} : vector<256x1024xf32> to vector<64x1024xf32>
    %mul3A_87 = arith.constant 5.000000e-01 : f32
    %mul3A_88 = vector.broadcast %mul3A_87 : f32 to vector<64x1024xf32>
    %mul3A_89 = arith.mulf %mul3A_88, %slice3A_86 : vector<64x1024xf32>
    %tanh3A_90 = math.tanh %mul3A_89 : vector<64x1024xf32>
    %mul3A_91 = arith.constant 5.000000e-01 : f32
    %mul3A_92 = vector.broadcast %mul3A_91 : f32 to vector<64x1024xf32>
    %mul3A_93 = arith.mulf %mul3A_92, %tanh3A_90 : vector<64x1024xf32>
    %add3A_94 = arith.constant 5.000000e-01 : f32
    %add3A_95 = vector.broadcast %add3A_94 : f32 to vector<64x1024xf32>
    %add3A_96 = arith.addf %mul3A_93, %add3A_95 : vector<64x1024xf32>
    %slice3A_97 = vector.extract_strided_slice %dot_general3A_74 {offsets = [128, 0], sizes = [64, 1024], strides = [1, 1]} : vector<256x1024xf32> to vector<64x1024xf32>
    %tanh3A_98 = math.tanh %slice3A_97 : vector<64x1024xf32>
    %slice3A_99 = vector.extract_strided_slice %dot_general3A_74 {offsets = [192, 0], sizes = [64, 1024], strides = [1, 1]} : vector<256x1024xf32> to vector<64x1024xf32>
    %mul3A_100 = arith.constant 5.000000e-01 : f32
    %mul3A_101 = vector.broadcast %mul3A_100 : f32 to vector<64x1024xf32>
    %mul3A_102 = arith.mulf %mul3A_101, %slice3A_99 : vector<64x1024xf32>
    %tanh3A_103 = math.tanh %mul3A_102 : vector<64x1024xf32>
    %mul3A_104 = arith.constant 5.000000e-01 : f32
    %mul3A_105 = vector.broadcast %mul3A_104 : f32 to vector<64x1024xf32>
    %mul3A_106 = arith.mulf %mul3A_105, %tanh3A_103 : vector<64x1024xf32>
    %add3A_107 = arith.constant 5.000000e-01 : f32
    %add3A_108 = vector.broadcast %add3A_107 : f32 to vector<64x1024xf32>
    %add3A_109 = arith.addf %mul3A_106, %add3A_108 : vector<64x1024xf32>
    %mul3A_110 = arith.mulf %add3A_96, %get3A_69 : vector<64x1024xf32>
    %mul3A_111 = arith.mulf %add3A_85, %tanh3A_98 : vector<64x1024xf32>
    %add3A_112 = arith.addf %mul3A_110, %mul3A_111 : vector<64x1024xf32>
    %tanh3A_113 = math.tanh %add3A_112 : vector<64x1024xf32>
    %mul3A_114 = arith.mulf %add3A_109, %tanh3A_113 : vector<64x1024xf32>
    %swap3A_115 = arith.constant 32 : index
    %swap3A_116 = arith.constant 1024 : index
    %swap3A_117 = vector.load %arg4[%swap3A_115, %swap3A_116] : memref<104x4096xf32, #tpu.memory_space<vmem>>, vector<64x1024xf32>
    tpu.vector_store %arg4[%swap3A_115, %swap3A_116], %mul3A_114 {strides = array<i32>} : memref<104x4096xf32, #tpu.memory_space<vmem>>, vector<64x1024xf32>,
    %swap3A_118 = arith.constant 0 : index
    %swap3A_119 = arith.constant 1024 : index
    %swap3A_120 = vector.load %arg5[%swap3A_118, %swap3A_119] : memref<64x4096xf32, #tpu.memory_space<vmem>>, vector<64x1024xf32>
    tpu.vector_store %arg5[%swap3A_118, %swap3A_119], %add3A_112 {strides = array<i32>} : memref<64x4096xf32, #tpu.memory_space<vmem>>, vector<64x1024xf32>,
    %eq3A_121 = arith.constant 49 : i32
    %eq3A_122 = arith.cmpi eq, %arg0, %eq3A_121 : i32
    %convert_element_type3A_123 = arith.extui %eq3A_122 : i1 to i32
    %cond3A_124 = arith.constant 0 : i32
    %cond3A_125 = arith.cmpi ne, %convert_element_type3A_123, %cond3A_124 : i32
    scf.if %cond3A_125 {
      %swap3A_252 = arith.constant 0 : index
      %swap3A_253 = arith.constant 1024 : index
      %swap3A_254 = vector.load %arg3[%swap3A_252, %swap3A_253] : memref<64x4096xf32, #tpu.memory_space<vmem>>, vector<64x1024xf32>
      tpu.vector_store %arg3[%swap3A_252, %swap3A_253], %mul3A_114 {strides = array<i32>} : memref<64x4096xf32, #tpu.memory_space<vmem>>, vector<64x1024xf32>,
    } else {
    }
    %slice3A_126 = vector.extract_strided_slice %transpose3A {offsets = [64, 0], sizes = [32, 1024], strides = [1, 1]} : vector<128x1024xf32> to vector<32x1024xf32>
    %swap3A_127 = arith.constant 0 : index
    %swap3A_128 = arith.constant 2048 : index
    %swap3A_129 = vector.load %arg4[%swap3A_127, %swap3A_128] : memref<104x4096xf32, #tpu.memory_space<vmem>>, vector<32x1024xf32>
    tpu.vector_store %arg4[%swap3A_127, %swap3A_128], %slice3A_126 {strides = array<i32>} : memref<104x4096xf32, #tpu.memory_space<vmem>>, vector<32x1024xf32>,
    %get3A_130 = arith.constant 0 : index
    %get3A_131 = arith.constant 2048 : index
    %get3A_132 = vector.load %arg5[%get3A_130, %get3A_131] : memref<64x4096xf32, #tpu.memory_space<vmem>>, vector<64x1024xf32>
    %get3A_133 = arith.constant 0 : index
    %get3A_134 = arith.constant 2048 : index
    %get3A_135 = vector.load %arg4[%get3A_133, %get3A_134] : memref<104x4096xf32, #tpu.memory_space<vmem>>, vector<104x1024xf32>
    %dot_general3A_136 = arith.constant dense<0.000000e+00> : vector<256x1024xf32>
    %dot_general3A_137 = tpu.matmul %get3A_3, %get3A_135, %dot_general3A_136 {dimension_numbers = #tpu.dot_dimension_numbers<[1], [0], [0], [1], [0, 0, 1, 1], [], []>, transpose_lhs_hint = false} : vector<256x104xf32>, vector<104x1024xf32>, vector<256x1024xf32> -> vector<256x1024xf32>
    %slice3A_138 = vector.extract_strided_slice %dot_general3A_137 {offsets = [0, 0], sizes = [64, 1024], strides = [1, 1]} : vector<256x1024xf32> to vector<64x1024xf32>
    %mul3A_139 = arith.constant 5.000000e-01 : f32
    %mul3A_140 = vector.broadcast %mul3A_139 : f32 to vector<64x1024xf32>
    %mul3A_141 = arith.mulf %mul3A_140, %slice3A_138 : vector<64x1024xf32>
    %tanh3A_142 = math.tanh %mul3A_141 : vector<64x1024xf32>
    %mul3A_143 = arith.constant 5.000000e-01 : f32
    %mul3A_144 = vector.broadcast %mul3A_143 : f32 to vector<64x1024xf32>
    %mul3A_145 = arith.mulf %mul3A_144, %tanh3A_142 : vector<64x1024xf32>
    %add3A_146 = arith.constant 5.000000e-01 : f32
    %add3A_147 = vector.broadcast %add3A_146 : f32 to vector<64x1024xf32>
    %add3A_148 = arith.addf %mul3A_145, %add3A_147 : vector<64x1024xf32>
    %slice3A_149 = vector.extract_strided_slice %dot_general3A_137 {offsets = [64, 0], sizes = [64, 1024], strides = [1, 1]} : vector<256x1024xf32> to vector<64x1024xf32>
    %mul3A_150 = arith.constant 5.000000e-01 : f32
    %mul3A_151 = vector.broadcast %mul3A_150 : f32 to vector<64x1024xf32>
    %mul3A_152 = arith.mulf %mul3A_151, %slice3A_149 : vector<64x1024xf32>
    %tanh3A_153 = math.tanh %mul3A_152 : vector<64x1024xf32>
    %mul3A_154 = arith.constant 5.000000e-01 : f32
    %mul3A_155 = vector.broadcast %mul3A_154 : f32 to vector<64x1024xf32>
    %mul3A_156 = arith.mulf %mul3A_155, %tanh3A_153 : vector<64x1024xf32>
    %add3A_157 = arith.constant 5.000000e-01 : f32
    %add3A_158 = vector.broadcast %add3A_157 : f32 to vector<64x1024xf32>
    %add3A_159 = arith.addf %mul3A_156, %add3A_158 : vector<64x1024xf32>
    %slice3A_160 = vector.extract_strided_slice %dot_general3A_137 {offsets = [128, 0], sizes = [64, 1024], strides = [1, 1]} : vector<256x1024xf32> to vector<64x1024xf32>
    %tanh3A_161 = math.tanh %slice3A_160 : vector<64x1024xf32>
    %slice3A_162 = vector.extract_strided_slice %dot_general3A_137 {offsets = [192, 0], sizes = [64, 1024], strides = [1, 1]} : vector<256x1024xf32> to vector<64x1024xf32>
    %mul3A_163 = arith.constant 5.000000e-01 : f32
    %mul3A_164 = vector.broadcast %mul3A_163 : f32 to vector<64x1024xf32>
    %mul3A_165 = arith.mulf %mul3A_164, %slice3A_162 : vector<64x1024xf32>
    %tanh3A_166 = math.tanh %mul3A_165 : vector<64x1024xf32>
    %mul3A_167 = arith.constant 5.000000e-01 : f32
    %mul3A_168 = vector.broadcast %mul3A_167 : f32 to vector<64x1024xf32>
    %mul3A_169 = arith.mulf %mul3A_168, %tanh3A_166 : vector<64x1024xf32>
    %add3A_170 = arith.constant 5.000000e-01 : f32
    %add3A_171 = vector.broadcast %add3A_170 : f32 to vector<64x1024xf32>
    %add3A_172 = arith.addf %mul3A_169, %add3A_171 : vector<64x1024xf32>
    %mul3A_173 = arith.mulf %add3A_159, %get3A_132 : vector<64x1024xf32>
    %mul3A_174 = arith.mulf %add3A_148, %tanh3A_161 : vector<64x1024xf32>
    %add3A_175 = arith.addf %mul3A_173, %mul3A_174 : vector<64x1024xf32>
    %tanh3A_176 = math.tanh %add3A_175 : vector<64x1024xf32>
    %mul3A_177 = arith.mulf %add3A_172, %tanh3A_176 : vector<64x1024xf32>
    %swap3A_178 = arith.constant 32 : index
    %swap3A_179 = arith.constant 2048 : index
    %swap3A_180 = vector.load %arg4[%swap3A_178, %swap3A_179] : memref<104x4096xf32, #tpu.memory_space<vmem>>, vector<64x1024xf32>
    tpu.vector_store %arg4[%swap3A_178, %swap3A_179], %mul3A_177 {strides = array<i32>} : memref<104x4096xf32, #tpu.memory_space<vmem>>, vector<64x1024xf32>,
    %swap3A_181 = arith.constant 0 : index
    %swap3A_182 = arith.constant 2048 : index
    %swap3A_183 = vector.load %arg5[%swap3A_181, %swap3A_182] : memref<64x4096xf32, #tpu.memory_space<vmem>>, vector<64x1024xf32>
    tpu.vector_store %arg5[%swap3A_181, %swap3A_182], %add3A_175 {strides = array<i32>} : memref<64x4096xf32, #tpu.memory_space<vmem>>, vector<64x1024xf32>,
    %eq3A_184 = arith.constant 49 : i32
    %eq3A_185 = arith.cmpi eq, %arg0, %eq3A_184 : i32
    %convert_element_type3A_186 = arith.extui %eq3A_185 : i1 to i32
    %cond3A_187 = arith.constant 0 : i32
    %cond3A_188 = arith.cmpi ne, %convert_element_type3A_186, %cond3A_187 : i32
    scf.if %cond3A_188 {
      %swap3A_252 = arith.constant 0 : index
      %swap3A_253 = arith.constant 2048 : index
      %swap3A_254 = vector.load %arg3[%swap3A_252, %swap3A_253] : memref<64x4096xf32, #tpu.memory_space<vmem>>, vector<64x1024xf32>
      tpu.vector_store %arg3[%swap3A_252, %swap3A_253], %mul3A_177 {strides = array<i32>} : memref<64x4096xf32, #tpu.memory_space<vmem>>, vector<64x1024xf32>,
    } else {
    }
    %slice3A_189 = vector.extract_strided_slice %transpose3A {offsets = [96, 0], sizes = [32, 1024], strides = [1, 1]} : vector<128x1024xf32> to vector<32x1024xf32>
    %swap3A_190 = arith.constant 0 : index
    %swap3A_191 = arith.constant 3072 : index
    %swap3A_192 = vector.load %arg4[%swap3A_190, %swap3A_191] : memref<104x4096xf32, #tpu.memory_space<vmem>>, vector<32x1024xf32>
    tpu.vector_store %arg4[%swap3A_190, %swap3A_191], %slice3A_189 {strides = array<i32>} : memref<104x4096xf32, #tpu.memory_space<vmem>>, vector<32x1024xf32>,
    %get3A_193 = arith.constant 0 : index
    %get3A_194 = arith.constant 3072 : index
    %get3A_195 = vector.load %arg5[%get3A_193, %get3A_194] : memref<64x4096xf32, #tpu.memory_space<vmem>>, vector<64x1024xf32>
    %get3A_196 = arith.constant 0 : index
    %get3A_197 = arith.constant 3072 : index
    %get3A_198 = vector.load %arg4[%get3A_196, %get3A_197] : memref<104x4096xf32, #tpu.memory_space<vmem>>, vector<104x1024xf32>
    %dot_general3A_199 = arith.constant dense<0.000000e+00> : vector<256x1024xf32>
    %dot_general3A_200 = tpu.matmul %get3A_3, %get3A_198, %dot_general3A_199 {dimension_numbers = #tpu.dot_dimension_numbers<[1], [0], [0], [1], [0, 0, 1, 1], [], []>, transpose_lhs_hint = false} : vector<256x104xf32>, vector<104x1024xf32>, vector<256x1024xf32> -> vector<256x1024xf32>
    %slice3A_201 = vector.extract_strided_slice %dot_general3A_200 {offsets = [0, 0], sizes = [64, 1024], strides = [1, 1]} : vector<256x1024xf32> to vector<64x1024xf32>
    %mul3A_202 = arith.constant 5.000000e-01 : f32
    %mul3A_203 = vector.broadcast %mul3A_202 : f32 to vector<64x1024xf32>
    %mul3A_204 = arith.mulf %mul3A_203, %slice3A_201 : vector<64x1024xf32>
    %tanh3A_205 = math.tanh %mul3A_204 : vector<64x1024xf32>
    %mul3A_206 = arith.constant 5.000000e-01 : f32
    %mul3A_207 = vector.broadcast %mul3A_206 : f32 to vector<64x1024xf32>
    %mul3A_208 = arith.mulf %mul3A_207, %tanh3A_205 : vector<64x1024xf32>
    %add3A_209 = arith.constant 5.000000e-01 : f32
    %add3A_210 = vector.broadcast %add3A_209 : f32 to vector<64x1024xf32>
    %add3A_211 = arith.addf %mul3A_208, %add3A_210 : vector<64x1024xf32>
    %slice3A_212 = vector.extract_strided_slice %dot_general3A_200 {offsets = [64, 0], sizes = [64, 1024], strides = [1, 1]} : vector<256x1024xf32> to vector<64x1024xf32>
    %mul3A_213 = arith.constant 5.000000e-01 : f32
    %mul3A_214 = vector.broadcast %mul3A_213 : f32 to vector<64x1024xf32>
    %mul3A_215 = arith.mulf %mul3A_214, %slice3A_212 : vector<64x1024xf32>
    %tanh3A_216 = math.tanh %mul3A_215 : vector<64x1024xf32>
    %mul3A_217 = arith.constant 5.000000e-01 : f32
    %mul3A_218 = vector.broadcast %mul3A_217 : f32 to vector<64x1024xf32>
    %mul3A_219 = arith.mulf %mul3A_218, %tanh3A_216 : vector<64x1024xf32>
    %add3A_220 = arith.constant 5.000000e-01 : f32
    %add3A_221 = vector.broadcast %add3A_220 : f32 to vector<64x1024xf32>
    %add3A_222 = arith.addf %mul3A_219, %add3A_221 : vector<64x1024xf32>
    %slice3A_223 = vector.extract_strided_slice %dot_general3A_200 {offsets = [128, 0], sizes = [64, 1024], strides = [1, 1]} : vector<256x1024xf32> to vector<64x1024xf32>
    %tanh3A_224 = math.tanh %slice3A_223 : vector<64x1024xf32>
    %slice3A_225 = vector.extract_strided_slice %dot_general3A_200 {offsets = [192, 0], sizes = [64, 1024], strides = [1, 1]} : vector<256x1024xf32> to vector<64x1024xf32>
    %mul3A_226 = arith.constant 5.000000e-01 : f32
    %mul3A_227 = vector.broadcast %mul3A_226 : f32 to vector<64x1024xf32>
    %mul3A_228 = arith.mulf %mul3A_227, %slice3A_225 : vector<64x1024xf32>
    %tanh3A_229 = math.tanh %mul3A_228 : vector<64x1024xf32>
    %mul3A_230 = arith.constant 5.000000e-01 : f32
    %mul3A_231 = vector.broadcast %mul3A_230 : f32 to vector<64x1024xf32>
    %mul3A_232 = arith.mulf %mul3A_231, %tanh3A_229 : vector<64x1024xf32>
    %add3A_233 = arith.constant 5.000000e-01 : f32
    %add3A_234 = vector.broadcast %add3A_233 : f32 to vector<64x1024xf32>
    %add3A_235 = arith.addf %mul3A_232, %add3A_234 : vector<64x1024xf32>
    %mul3A_236 = arith.mulf %add3A_222, %get3A_195 : vector<64x1024xf32>
    %mul3A_237 = arith.mulf %add3A_211, %tanh3A_224 : vector<64x1024xf32>
    %add3A_238 = arith.addf %mul3A_236, %mul3A_237 : vector<64x1024xf32>
    %tanh3A_239 = math.tanh %add3A_238 : vector<64x1024xf32>
    %mul3A_240 = arith.mulf %add3A_235, %tanh3A_239 : vector<64x1024xf32>
    %swap3A_241 = arith.constant 32 : index
    %swap3A_242 = arith.constant 3072 : index
    %swap3A_243 = vector.load %arg4[%swap3A_241, %swap3A_242] : memref<104x4096xf32, #tpu.memory_space<vmem>>, vector<64x1024xf32>
    tpu.vector_store %arg4[%swap3A_241, %swap3A_242], %mul3A_240 {strides = array<i32>} : memref<104x4096xf32, #tpu.memory_space<vmem>>, vector<64x1024xf32>,
    %swap3A_244 = arith.constant 0 : index
    %swap3A_245 = arith.constant 3072 : index
    %swap3A_246 = vector.load %arg5[%swap3A_244, %swap3A_245] : memref<64x4096xf32, #tpu.memory_space<vmem>>, vector<64x1024xf32>
    tpu.vector_store %arg5[%swap3A_244, %swap3A_245], %add3A_238 {strides = array<i32>} : memref<64x4096xf32, #tpu.memory_space<vmem>>, vector<64x1024xf32>,
    %eq3A_247 = arith.constant 49 : i32
    %eq3A_248 = arith.cmpi eq, %arg0, %eq3A_247 : i32
    %convert_element_type3A_249 = arith.extui %eq3A_248 : i1 to i32
    %cond3A_250 = arith.constant 0 : i32
    %cond3A_251 = arith.cmpi ne, %convert_element_type3A_249, %cond3A_250 : i32
    scf.if %cond3A_251 {
      %swap3A_252 = arith.constant 0 : index
      %swap3A_253 = arith.constant 3072 : index
      %swap3A_254 = vector.load %arg3[%swap3A_252, %swap3A_253] : memref<64x4096xf32, #tpu.memory_space<vmem>>, vector<64x1024xf32>
      tpu.vector_store %arg3[%swap3A_252, %swap3A_253], %mul3A_240 {strides = array<i32>} : memref<64x4096xf32, #tpu.memory_space<vmem>>, vector<64x1024xf32>,
    } else {
    }
    return
  }
  func.func @transform_0(%arg0: i32) -> i32 {
    %c0_i32 = arith.constant 0 : i32
    return %arg0 : i32
  }
  func.func @transform_1(%arg0: i32) -> (i32, i32) {
    %c0_i32 = arith.constant 0 : i32
    %c0_i32_0 = arith.constant 0 : i32
    %c0_i32_1 = arith.constant 0 : i32
    return %c0_i32, %c0_i32_0 : i32, i32
  }
  func.func @transform_2(%arg0: i32) -> (i32, i32) {
    %c0_i32 = arith.constant 0 : i32
    %c0_i32_0 = arith.constant 0 : i32
    %c0_i32_1 = arith.constant 0 : i32
    return %c0_i32, %c0_i32_0 : i32, i32
  }
}

</mosaic_0001>

<sc_bundles>
// kernel: kernel.4.cloned.1.call-start
scs
__scs_entry_jumppad:
0x0: {  	(pc) =	sbr.rel $0x88, $3  }
0x1: {  	(tag) =	ssettag $0x0;
	lr =	simm.s32 $0x1  }
0x2: {  	[smem:$0x3F9B] =	sst lr;
	_ =	strace $0xD0000000  }
0x3: {  	_ = 	snop  }
0x4: {  	_ = 	snop  }
0x5: {  	_ = 	snop  }
0x6: {  	_ = 	snop  }
0x7: {  	_ = 	snop  }
__scs_overlays_trampoline_lowered:
0x8: {  	[smem:$0x3FAA] =	sst s0  }
0x9: {  	[smem:$0x3FAB] =	sst s1  }
0xa: {  	[smem:$0x3FAC] =	sst s2  }
0xb: {  	[smem:$0x3FAD] =	sst s3  }
0xc: {  	[smem:$0x3FAE] =	sst s4  }
0xd: {  	[smem:$0x3FAF] =	sst s5  }
0xe: {  	[smem:$0x3FB0] =	sst s6  }
0xf: {  	[smem:$0x3FB1] =	sst s7  }
0x10: {  	[smem:$0x3FB2] =	sst s8  }
0x11: {  	[smem:$0x3FB3] =	sst s9;
	s0 =	simm.s32 @!p0 $0x0  }
0x12: {  	s1 =	sld [smem:$0x3F99];
	s0 =	simm.s32 @p0 $0x1  }
0x13: {  	[smem:$0x3FB4] =	sst s0;
	s0 =	simm.s32 @!p1 $0x0  }
0x14: {  	s2 =	sld [smem:$0x3F98];
	s0 =	simm.s32 @p1 $0x1  }
0x15: {  	[smem:$0x3FB5] =	sst s0;
	s0 =	simm.s32 @!p2 $0x0  }
0x16: {  	s3 =	sld [smem:$0x3FDB];
	s0 =	simm.s32 @p2 $0x1  }
0x17: {  	s4 =	simm.s32 $0x1BF5;
	[smem:$0x3FB7] =	sst s0  }
0x18: {  	s0 =	sld [smem:$0x3F9A];
	_ =	swait.ge [sflag:s4], $0x0  }
0x19: {  	s7 =	sld [smem:$0x3F9B]  }
0x1a: {  	s8 =	sadd.s32 $0xFFFFE003, lr  }
0x1b: {  	s9 =	sadd.s32 $0xFFFFFEF7, lr;
	s5 =	simm.s32 $0xFFFFFFFF;
	p2 =	slt.u32 s8, $0xFFFFF086  }
0x1c: {  	p1 =	slt.u32 s9, $0xF7A;
	s5 =	simm.s32 @!p2 $0x0  }
0x1d: {  	s5 =	simm.s32 @p1 $0x1;
	p0 =	seq.s32 s7, s2  }
0x1e: {  	s7 =	smul.u32 @!p0 $0xF7A, s2;
	p2 =	seq.s32 @!p0 s5, $0x0  }
0x1f: {  	s9 =	smul.u32 $0xF7A, s1;
	s8 =	simm.s32 @!p0 $0x1BF5;
	p2 =	por !p2, p0  }
0x20: {  	[sflag:s8] =	ssyncset.s32 @!p0 $0xFFFFF086;
	s6 =	sadd.s32 @!p0 s3, s7;
	s7 =	simm.s32 @!p0 $0x108  }
0x21: {  	s3 =	sadd.s32 s3, s9;
	s6 =	sadd.s32 @!p0 $0x88, s6;
	s7 =	simm.s32 @p2 $0x1082  }
0x22: {  	[simem:s7], [sflag:s8] =	dma.local @!p0 [hbm:s6], $0xF7A  }
0x23: {  	s9 =	sor.u32 $0xD0000000, s2;
	s6 =	simm.s32 $0x108;
	_ =	swait.ge @!p0 [sflag:s8], $0x0  }
0x24: {  	s3 =	sadd.s32 $0x88, s3;
	s6 =	simm.s32 @!p1 $0x1082;
	[sflag:s4] =	ssyncset.s32 $0xFFFFF086  }
0x25: {  	[simem:s6], [sflag:s4] =	dma.local [hbm:s3], $0xF7A  }
0x26: {  	[smem:$0x3F9B] =	sst s1;
	(tag) =	ssettag s2;
	_ =	strace s9  }
0x27: {  	s1 =	sld [smem:$0x3FAB]  }
0x28: {  	s2 =	sld [smem:$0x3FAC]  }
0x29: {  	s4 =	sld [smem:$0x3FAE]  }
0x2a: {  	p0 =	seq.s32 s5, $0x0;
	s5 =	sld [smem:$0x3FAF]  }
0x2b: {  	s6 =	sld [smem:$0x3FB0]  }
0x2c: {  	s7 =	sld [smem:$0x3FB1]  }
0x2d: {  	s3 =	simm.s32 $0x108;
	s8 =	sld [smem:$0x3FB2]  }
0x2e: {  	s3 =	simm.s32 @!p0 $0x1082;
	s9 =	sld [smem:$0x3FB3]  }
0x2f: {  	lr =	sadd.s32 s0, s3;
	s0 =	sld [smem:$0x3FAA]  }
0x30: {  	s3 =	sld [smem:$0x3FAD]  }
0x31: {  	[smem:$0x3FB6] =	sst s10  }
0x32: {  	s10 =	sld [smem:$0x3FB4];
	_ =	sdelay $0x3  }
0x33: {  	p0 =	seq.s32 s10, $0x1;
	s10 =	sld [smem:$0x3FB6];
	_ =	sdelay $0x3  }
0x34: {  	[smem:$0x3FB6] =	sst s10  }
0x35: {  	s10 =	sld [smem:$0x3FB5];
	_ =	sdelay $0x3  }
0x36: {  	p1 =	seq.s32 s10, $0x1;
	s10 =	sld [smem:$0x3FB6];
	_ =	sdelay $0x3  }
0x37: {  	[smem:$0x3FB6] =	sst s10  }
0x38: {  	s10 =	sld [smem:$0x3FB7]  }
0x39: {  	_ = 	snop;
	(pc) =	sbr.ind lr, $3  }
0x3a: {  	_ = 	snop  }
0x3b: {  	_ = 	snop  }
0x3c: {  	p2 =	seq.s32 s10, $0x1;
	s10 =	sld [smem:$0x3FB6]  }
0x3d: {  	_ =	shalt  }
0x3e: {  	_ =	shalt  }
0x3f: {  	_ =	shalt  }
0x40: {  	_ =	shalt  }
0x41: {  	_ =	shalt  }
0x42: {  	_ =	shalt  }
0x43: {  	_ =	shalt  }
0x44: {  	_ =	shalt  }
0x45: {  	_ =	shalt  }
0x46: {  	_ =	shalt  }
0x47: {  	_ =	shalt  }
0x48: {  	_ =	shalt  }
0x49: {  	_ =	shalt  }
0x4a: {  	_ =	shalt  }
0x4b: {  	_ =	shalt  }
0x4c: {  	_ =	shalt  }
0x4d: {  	_ =	shalt  }
0x4e: {  	_ =	shalt  }
0x4f: {  	_ =	shalt  }
0x50: {  	_ =	shalt  }
0x51: {  	_ =	shalt  }
0x52: {  	_ =	shalt  }
0x53: {  	_ =	shalt  }
0x54: {  	_ =	shalt  }
0x55: {  	_ =	shalt  }
0x56: {  	_ =	shalt  }
0x57: {  	_ =	shalt  }
0x58: {  	_ =	shalt  }
0x59: {  	_ =	shalt  }
0x5a: {  	_ =	shalt  }
0x5b: {  	_ =	shalt  }
0x5c: {  	_ =	shalt  }
0x5d: {  	_ =	shalt  }
0x5e: {  	_ =	shalt  }
0x5f: {  	_ =	shalt  }
0x60: {  	_ =	shalt  }
0x61: {  	_ =	shalt  }
0x62: {  	_ =	shalt  }
0x63: {  	_ =	shalt  }
0x64: {  	_ =	shalt  }
0x65: {  	_ =	shalt  }
0x66: {  	_ =	shalt  }
0x67: {  	_ =	shalt  }
0x68: {  	_ =	shalt  }
0x69: {  	_ =	shalt  }
0x6a: {  	_ =	shalt  }
0x6b: {  	_ =	shalt  }
0x6c: {  	_ =	shalt  }
0x6d: {  	_ =	shalt  }
0x6e: {  	_ =	shalt  }
0x6f: {  	_ =	shalt  }
0x70: {  	_ =	shalt  }
0x71: {  	_ =	shalt  }
0x72: {  	_ =	shalt  }
0x73: {  	_ =	shalt  }
0x74: {  	_ =	shalt  }
0x75: {  	_ =	shalt  }
0x76: {  	_ =	shalt  }
0x77: {  	_ =	shalt  }
0x78: {  	_ =	shalt  }
0x79: {  	_ =	shalt  }
0x7a: {  	_ =	shalt  }
0x7b: {  	_ =	shalt  }
0x7c: {  	_ =	shalt  }
0x7d: {  	_ =	shalt  }
0x7e: {  	_ =	shalt  }
0x7f: {  	_ =	shalt  }
0x80: {  	_ =	shalt  }
0x81: {  	_ =	shalt  }
0x82: {  	_ =	shalt  }
0x83: {  	_ =	shalt  }
0x84: {  	_ =	shalt  }
0x85: {  	_ =	shalt  }
0x86: {  	_ =	shalt  }
0x87: {  	_ =	shalt  }
.Lfunc_end0:
.L_simem_size_0:
called_computation_lowered:
.L_overlay_start_0:
0x88: {  	s2 =	sld [smem:$0x3FD9]  }
0x89: {  	s3 =	sld [smem:$0x3FFE];
	_ =	sdelay $0x1  }
0x8a: {  	s1 =	srdreg.scid  }
0x8b: {  	s0 =	sand.u32 $0x1, s1  }
0x8c: {  	s17 =	sshll.u32 s0, $0xA;
	s2 =	sadd.s32 s3, s2  }
0x8d: {  	s2 =	sadd.s32 s2, s17  }
0x8e: {  	[smem:$0x3FC2] =	sst s2  }
0x8f: {  	_ = 	snop  }
0x90: {  	s2 =	sld [smem:$0x3FD0];
	(tm) =	ssettm $0x1  }
0x91: {  	s18 =	sld [smem:$0x3FFB];
	_ =	sdelay $0x3  }
0x92: {  	_ =	strace s18  }
0x93: {  	s3 =	sld [smem:$0x3FFC];
	_ =	sdelay $0x3  }
0x94: {  	_ =	strace s3  }
0x95: {  	s3 =	sld [smem:$0x3FFD];
	_ =	sdelay $0x3  }
0x96: {  	_ =	strace s3  }
0x97: {  	_ =	strace $0x8FFFFFFF  }
0x98: {  	s19 =	sld [smem:$0x3FDB];
	_ =	sdelay $0x1  }
0x99: {  	s4 =	simm.s32 $_scs_section_size  }
0x9a: {  	s5 =	simm.s32 $_size__tile_overlayer_lowered;
	s6 =	simm.s32 $_tile_overlayer_lowered  }
0x9b: {  	s22 =	simm.s32 $0x1BFF;
	s21 =	sshll.u32 s6, $0x1;
	s3 =	sadd.s32 s4, s19  }
0x9c: {  	s7 =	simm.s32 $0x0;
	s20 =	sshll.u32 s5, $0x1;
	s5 =	sadd.s32 s21, s3  }
0x9d: {  	[timem:s7], [sflag:s22] =	dma.local [hbm:s5], s20  }
0x9e: {  	_ =	swait.ge [sflag:s22], s20  }
0x9f: {  	s4 =	ssub.s32 $0x0, s20;
	[sflag:s22] =	ssyncset.done $0x0  }
0xa0: {  	[sflag:s22] =	ssyncadd.s32 s4;
	_ =	sdelay $0x1  }
0xa1: {  	s23 =	simm.s32 $0x1B8B  }
0xa2: {  	_ =	swait.ge [sflag:s23], $0x1  }
0xa3: {  	[sflag:s23] =	ssyncset.done $0x0  }
0xa4: {  	s25 =	simm.s32 $0x1B8E;
	s24 =	sld [smem:$0x3FFE];
	[sflag:s23] =	ssyncadd.s32 $0xFFFFFFFF  }
0xa5: {  	s26 =	simm.s32 $execute0_lowered;
	[smem:$0x3FD2] =	sst s25  }
0xa6: {  	s5 =	sshll.u32 s26, $0x1;
	_ =	strace $0x80000046;
	[dreg:$0x1] =	wrdreg $0xFFFFFFFF  }
0xa7: {  	s28 =	simm.s32 $_size_execute0_lowered;
	s3 =	sadd.s32 s3, s5;
	[dreg:$0x0] =	wrdreg $0x0  }
0xa8: {  	s5 =	sshll.u32 s28, $0x1;
	[dreg:$0x2] =	wrdreg s3  }
0xa9: {  	[dreg:$0x3] =	wrdreg s5  }
0xaa: {  	[dreg:$0x4] =	wrdreg $0xC0  }
0xab: {  	_ =	task [dreg:s7], $0x5FFFF  }
0xac: {  	[dreg:$0x1] =	wrdreg $0xFFFFFFFF  }
0xad: {  	[dreg:$0x0] =	wrdreg $0x60  }
0xae: {  	[dreg:$0x2] =	wrdreg s2  }
0xaf: {  	[dreg:$0x3] =	wrdreg s24  }
0xb0: {  	[dreg:$0x4] =	wrdreg $0x9  }
0xb1: {  	_ =	task.clear_ibuf [dreg:s7], $0x5FFFF;
	_ =	strace $0x90000046  }
0xb2: {  	s29 =	simm.s32 $0x9;
	_ =	strace $0x80000048  }
0xb3: {  	_ =	swait.ge [sflag:s29], $0x1  }
0xb4: {  	[sflag:s29] =	ssyncadd.s32 $0xFFFFFFFF  }
0xb5: {  	_ =	strace $0x90000048  }
0xb6: {  	_ =	sfence  }
0xb7: {  	s30 =	sld [smem:$0x0];
	_ =	sdelay $0x2  }
0xb8: {  	s31 =	sshll.u32 s1, $0xD;
	s1 =	sshrl.u32 s1, $0x2  }
0xb9: {  	s3 =	sand.u32 $0x4000, s31;
	s1 =	sadd.s32 s1, s30  }
0xba: {  	s0 =	sor.u32 s3, s0;
	s1 =	sshll.u32 s1, $0x11  }
0xbb: {  	s0 =	sor.u32 s1, s0  }
0xbc: {  	s0 =	sadd.s32 $0x8F2B, s0  }
0xbd: {  	[sflag:s0] =	ssyncadd.remote.s32 $0x1  }
0xbe: {  	_ =	sfence.sel $0xFFFF  }
0xbf: {  	[dreg:$0x0] =	wrdreg $0xFFFFFFFF;
	(pc) =	sbr.abs _section_cstart, $3  }
0xc0: {  	[dreg:$0x1] =	wrdreg $0xFFFFFFFF  }
0xc1: {  	_ =	task.clear_ibuf [dreg:s7], $0x2FFFF;
	_ =	strace $0x9FFFFFFF  }
0xc2: {  	(tm) =	ssettm $0x7FFFFFFF  }
0xc3: {  	_ =	shalt  }
tec
execute0_lowered:
.L_overlay_start_1:
0x0: {  	(tag) =	ssettag $0x1  }
0x1: {  	s0 =	rddreg [dreg:$0x0]  }
0x2: {  	s1 =	rddreg [dreg:$0x1];
	s2 =	simm.s32 $0x0  }
0x3: {  	s9 =	stileid.u32;
	s3 =	srdreg.scid;
	s10 =	simm.s32 $0x1500  }
0x4: {  	s11 =	simm.s32 $0x100;
	s12 =	simm.s32 $0x2500;
	s13 =	simm.s32 $0x180  }
0x5: {  	s14 =	simm.s32 $0x3500;
	s15 =	simm.s32 $0x200;
	s16 =	simm.s32 $0x4500  }
0x6: {  	s17 =	simm.s32 $0x280;
	s18 =	simm.s32 $0x5500;
	s19 =	simm.s32 $0x300  }
0x7: {  	s20 =	simm.s32 $0x6500;
	s21 =	simm.s32 $0x380;
	s22 =	simm.s32 $0x7500  }
0x8: {  	s23 =	simm.s32 $0x400;
	s24 =	simm.s32 $0x8500;
	s25 =	simm.s32 $0x480  }
0x9: {  	s26 =	simm.s32 $0x9500;
	s28 =	simm.s32 $0x1;
	s4 =	smul.u32 $0xC800, s9  }
0xa: {  	s29 =	simm.s32 $0x0;
	s5 =	sand.u32 $0x1, s3;
	s9 =	smul.u32 $0x640, s9  }
0xb: {  	[smem:$0x7FF] =	sst s2;
	s3 =	sadd.s32 $0x187A00, s1;
	s7 =	smul.u32 $0x6400, s5  }
0xc: {  	_ =	strace $0x80000047;
	s6 =	ssub.s32 $0x2, s5;
	s31 =	smul.u32 $0x320, s5  }
0xd: {  	s8 =	sshrl.u32 s6, $0x1;
	s1 =	sadd.s32 s4, s1;
	s0 =	sadd.s32 s9, s0  }
0xe: {  	s9 =	simm.s32 $0x500;
	s30 =	ssub.s32 s6, s8;
	s1 =	sadd.s32 s7, s1  }
0xf: {  	s6 =	sadd.s32 s31, s0;
	s7 =	simm.s32 $0x2;
	s4 =	smax.u32 s30, $0x1  }
0x10: {  	s8 =	simm.s32 $0x80;
	s5 =	sadd.s32 $0xE00, s1;
	[dreg:$0x3] =	wrdreg s4  }
.LBB2_1:
0x11: {  	s0 =	sadd.s32 $0x0, s6  }
0x12: {  	[tilespmem:s2], [sflag:$0x2] =	stream.linear.gather [hbm4b:s0+s2], $0x500, $0x38;
	[tilespmem:$0xA500] =	vst v63  }
0x13: {  	_ =	swait.ge [sflag:s7], $0x500  }
0x14: {  	[sflag:s7] =	ssyncset.done $0x0  }
0x15: {  	[sflag:s7] =	ssyncadd.s32 $0xFFFFFB00  }
0x16: {  	[tilespmem:s9], [sflag:$0x1] =	stream.indirect.gather [hbm4b:s3+s8], $0x20, s2, s8, $0xb8;
	[tilespmem:$0xA500] =	vst v63  }
0x17: {  	_ = 	snop  }
0x18: {  	[tilespmem:s10], [sflag:$0x1] =	stream.indirect.gather [hbm4b:s3+s8], $0x20, s8, s8, $0xb8;
	[tilespmem:$0xA500] =	vst v63  }
0x19: {  	_ = 	snop  }
0x1a: {  	[tilespmem:s12], [sflag:$0x1] =	stream.indirect.gather [hbm4b:s3+s8], $0x20, s11, s8, $0xb8;
	[tilespmem:$0xA500] =	vst v63  }
0x1b: {  	_ = 	snop  }
0x1c: {  	[tilespmem:s14], [sflag:$0x1] =	stream.indirect.gather [hbm4b:s3+s8], $0x20, s13, s8, $0xb8;
	[tilespmem:$0xA500] =	vst v63  }
0x1d: {  	_ = 	snop  }
0x1e: {  	[tilespmem:s16], [sflag:$0x1] =	stream.indirect.gather [hbm4b:s3+s8], $0x20, s15, s8, $0xb8;
	[tilespmem:$0xA500] =	vst v63  }
0x1f: {  	_ = 	snop  }
0x20: {  	[tilespmem:s18], [sflag:$0x1] =	stream.indirect.gather [hbm4b:s3+s8], $0x20, s17, s8, $0xb8;
	[tilespmem:$0xA500] =	vst v63  }
0x21: {  	_ = 	snop  }
0x22: {  	[tilespmem:s20], [sflag:$0x1] =	stream.indirect.gather [hbm4b:s3+s8], $0x20, s19, s8, $0xb8;
	[tilespmem:$0xA500] =	vst v63  }
0x23: {  	_ = 	snop  }
0x24: {  	[tilespmem:s22], [sflag:$0x1] =	stream.indirect.gather [hbm4b:s3+s8], $0x20, s21, s8, $0xb8;
	[tilespmem:$0xA500] =	vst v63  }
0x25: {  	_ = 	snop  }
0x26: {  	[tilespmem:s24], [sflag:$0x1] =	stream.indirect.gather [hbm4b:s3+s8], $0x20, s23, s8, $0xb8;
	[tilespmem:$0xA500] =	vst v63  }
0x27: {  	_ = 	snop  }
0x28: {  	[tilespmem:s26], [sflag:$0x1] =	stream.indirect.gather [hbm4b:s3+s8], $0x20, s25, s8, $0xb8;
	[tilespmem:$0xA500] =	vst v63  }
0x29: {  	_ =	swait.ge [sflag:s28], $0x1000  }
0x2a: {  	[sflag:s28] =	ssyncset.done $0x0  }
0x2b: {  	[sflag:s28] =	ssyncadd.s32 $0xFFFFF000  }
0x2c: {  	_ =	swait.ge [sflag:s28], $0x1000  }
0x2d: {  	[sflag:s28] =	ssyncset.done $0x0  }
0x2e: {  	[sflag:s28] =	ssyncadd.s32 $0xFFFFF000  }
0x2f: {  	_ =	swait.ge [sflag:s28], $0x1000  }
0x30: {  	[sflag:s28] =	ssyncset.done $0x0  }
0x31: {  	[sflag:s28] =	ssyncadd.s32 $0xFFFFF000  }
0x32: {  	_ =	swait.ge [sflag:s28], $0x1000  }
0x33: {  	[sflag:s28] =	ssyncset.done $0x0  }
0x34: {  	[sflag:s28] =	ssyncadd.s32 $0xFFFFF000  }
0x35: {  	_ =	swait.ge [sflag:s28], $0x1000  }
0x36: {  	[sflag:s28] =	ssyncset.done $0x0  }
0x37: {  	[sflag:s28] =	ssyncadd.s32 $0xFFFFF000  }
0x38: {  	_ =	swait.ge [sflag:s28], $0x1000  }
0x39: {  	[sflag:s28] =	ssyncset.done $0x0  }
0x3a: {  	[sflag:s28] =	ssyncadd.s32 $0xFFFFF000  }
0x3b: {  	_ =	swait.ge [sflag:s28], $0x1000  }
0x3c: {  	[sflag:s28] =	ssyncset.done $0x0  }
0x3d: {  	[sflag:s28] =	ssyncadd.s32 $0xFFFFF000  }
0x3e: {  	_ =	swait.ge [sflag:s28], $0x1000  }
0x3f: {  	[sflag:s28] =	ssyncset.done $0x0  }
0x40: {  	[sflag:s28] =	ssyncadd.s32 $0xFFFFF000  }
0x41: {  	_ =	swait.ge [sflag:s28], $0x1000  }
0x42: {  	[sflag:s28] =	ssyncset.done $0x0  }
0x43: {  	[sflag:s28] =	ssyncadd.s32 $0xFFFFF000  }
0x44: {  	_ =	swait.ge [sflag:s28], $0x1000  }
0x45: {  	[sflag:s28] =	ssyncset.done $0x0  }
0x46: {  	[sflag:s28] =	ssyncadd.s32 $0xFFFFF000  }
0x47: {  	[hbm4b:s5+s2] =	stream.linear.scatter [tilespmem:s9], [sflag:$0x2], $0xA000, $0x38;
	[tilespmem:$0xA500] =	vst v63  }
0x48: {  	s31 =	simm.s32 $0xA0;
	_ =	swait.ge [sflag:s7], $0xA000  }
0x49: {  	s30 =	sadd.s32 $0x1400, s5;
	s0 =	simm.s32 $0x140;
	[sflag:s7] =	ssyncset.done $0x0  }
.LBB2_2:
0x4a: {  	s4 =	sadd.s32 s31, s6  }
0x4b: {  	[sflag:s7] =	ssyncadd.s32 $0xFFFF6000;
	s31 =	smov.u32 s0;
	s1 =	sadd.s32 $0xA0, s0  }
0x4c: {  	[tilespmem:s2], [sflag:$0x2] =	stream.linear.gather [hbm4b:s4+s2], $0x500, $0x38;
	[tilespmem:$0xA500] =	vst v63  }
0x4d: {  	p0 =	sne.s32 s0, $0x280;
	_ =	swait.ge [sflag:s7], $0x500  }
0x4e: {  	[sflag:s7] =	ssyncset.done $0x0  }
0x4f: {  	[sflag:s7] =	ssyncadd.s32 $0xFFFFFB00  }
0x50: {  	[tilespmem:s9], [sflag:$0x1] =	stream.indirect.gather [hbm4b:s3+s8], $0x20, s2, s8, $0xb8;
	[tilespmem:$0xA500] =	vst v63  }
0x51: {  	_ = 	snop  }
0x52: {  	[tilespmem:s10], [sflag:$0x1] =	stream.indirect.gather [hbm4b:s3+s8], $0x20, s8, s8, $0xb8;
	[tilespmem:$0xA500] =	vst v63  }
0x53: {  	_ = 	snop  }
0x54: {  	[tilespmem:s12], [sflag:$0x1] =	stream.indirect.gather [hbm4b:s3+s8], $0x20, s11, s8, $0xb8;
	[tilespmem:$0xA500] =	vst v63  }
0x55: {  	_ = 	snop  }
0x56: {  	[tilespmem:s14], [sflag:$0x1] =	stream.indirect.gather [hbm4b:s3+s8], $0x20, s13, s8, $0xb8;
	[tilespmem:$0xA500] =	vst v63  }
0x57: {  	_ = 	snop  }
0x58: {  	[tilespmem:s16], [sflag:$0x1] =	stream.indirect.gather [hbm4b:s3+s8], $0x20, s15, s8, $0xb8;
	[tilespmem:$0xA500] =	vst v63  }
0x59: {  	_ = 	snop  }
0x5a: {  	[tilespmem:s18], [sflag:$0x1] =	stream.indirect.gather [hbm4b:s3+s8], $0x20, s17, s8, $0xb8;
	[tilespmem:$0xA500] =	vst v63  }
0x5b: {  	_ = 	snop  }
0x5c: {  	[tilespmem:s20], [sflag:$0x1] =	stream.indirect.gather [hbm4b:s3+s8], $0x20, s19, s8, $0xb8;
	[tilespmem:$0xA500] =	vst v63  }
0x5d: {  	_ = 	snop  }
0x5e: {  	[tilespmem:s22], [sflag:$0x1] =	stream.indirect.gather [hbm4b:s3+s8], $0x20, s21, s8, $0xb8;
	[tilespmem:$0xA500] =	vst v63  }
0x5f: {  	_ = 	snop  }
0x60: {  	[tilespmem:s24], [sflag:$0x1] =	stream.indirect.gather [hbm4b:s3+s8], $0x20, s23, s8, $0xb8;
	[tilespmem:$0xA500] =	vst v63  }
0x61: {  	_ = 	snop  }
0x62: {  	[tilespmem:s26], [sflag:$0x1] =	stream.indirect.gather [hbm4b:s3+s8], $0x20, s25, s8, $0xb8;
	[tilespmem:$0xA500] =	vst v63  }
0x63: {  	_ =	swait.ge [sflag:s28], $0x1000  }
0x64: {  	[sflag:s28] =	ssyncset.done $0x0  }
0x65: {  	[sflag:s28] =	ssyncadd.s32 $0xFFFFF000  }
0x66: {  	_ =	swait.ge [sflag:s28], $0x1000  }
0x67: {  	[sflag:s28] =	ssyncset.done $0x0  }
0x68: {  	[sflag:s28] =	ssyncadd.s32 $0xFFFFF000  }
0x69: {  	_ =	swait.ge [sflag:s28], $0x1000  }
0x6a: {  	[sflag:s28] =	ssyncset.done $0x0  }
0x6b: {  	[sflag:s28] =	ssyncadd.s32 $0xFFFFF000  }
0x6c: {  	_ =	swait.ge [sflag:s28], $0x1000  }
0x6d: {  	[sflag:s28] =	ssyncset.done $0x0  }
0x6e: {  	[sflag:s28] =	ssyncadd.s32 $0xFFFFF000  }
0x6f: {  	_ =	swait.ge [sflag:s28], $0x1000  }
0x70: {  	[sflag:s28] =	ssyncset.done $0x0  }
0x71: {  	[sflag:s28] =	ssyncadd.s32 $0xFFFFF000  }
0x72: {  	_ =	swait.ge [sflag:s28], $0x1000  }
0x73: {  	[sflag:s28] =	ssyncset.done $0x0  }
0x74: {  	[sflag:s28] =	ssyncadd.s32 $0xFFFFF000  }
0x75: {  	_ =	swait.ge [sflag:s28], $0x1000  }
0x76: {  	[sflag:s28] =	ssyncset.done $0x0  }
0x77: {  	[sflag:s28] =	ssyncadd.s32 $0xFFFFF000  }
0x78: {  	_ =	swait.ge [sflag:s28], $0x1000  }
0x79: {  	[sflag:s28] =	ssyncset.done $0x0  }
0x7a: {  	[sflag:s28] =	ssyncadd.s32 $0xFFFFF000  }
0x7b: {  	_ =	swait.ge [sflag:s28], $0x1000  }
0x7c: {  	[sflag:s28] =	ssyncset.done $0x0  }
0x7d: {  	[sflag:s28] =	ssyncadd.s32 $0xFFFFF000  }
0x7e: {  	_ =	swait.ge [sflag:s28], $0x1000  }
.Ltmp0:
0x7f: {  	[sflag:s28] =	ssyncset.done $0x0;
	(pc) =	sbr.rel @p0 .LBB2_2-.Ltmp0, $4  }
0x80: {  	[sflag:s28] =	ssyncadd.s32 $0xFFFFF000  }
0x81: {  	[hbm4b:s30+s2] =	stream.linear.scatter [tilespmem:s9], [sflag:$0x2], $0xA000, $0x38;
	[tilespmem:$0xA500] =	vst v63  }
0x82: {  	_ =	swait.ge [sflag:s7], $0xA000  }
0x83: {  	s0 =	smov.u32 s1;
	s30 =	sadd.s32 $0x1400, s30;
	[sflag:s7] =	ssyncset.done $0x0  }
0x84: {  	s0 =	sadd.s32 s31, s6;
	[sflag:s7] =	ssyncadd.s32 $0xFFFF6000  }
0x85: {  	[tilespmem:s2], [sflag:$0x2] =	stream.linear.gather [hbm4b:s0+s2], $0x500, $0x38;
	[tilespmem:$0xA500] =	vst v63  }
0x86: {  	_ =	swait.ge [sflag:s7], $0x500  }
0x87: {  	[sflag:s7] =	ssyncset.done $0x0  }
0x88: {  	[sflag:s7] =	ssyncadd.s32 $0xFFFFFB00  }
0x89: {  	[tilespmem:s9], [sflag:$0x1] =	stream.indirect.gather [hbm4b:s3+s8], $0x20, s2, s8, $0xb8;
	[tilespmem:$0xA500] =	vst v63  }
0x8a: {  	_ = 	snop  }
0x8b: {  	[tilespmem:s10], [sflag:$0x1] =	stream.indirect.gather [hbm4b:s3+s8], $0x20, s8, s8, $0xb8;
	[tilespmem:$0xA500] =	vst v63  }
0x8c: {  	_ = 	snop  }
0x8d: {  	[tilespmem:s12], [sflag:$0x1] =	stream.indirect.gather [hbm4b:s3+s8], $0x20, s11, s8, $0xb8;
	[tilespmem:$0xA500] =	vst v63  }
0x8e: {  	_ = 	snop  }
0x8f: {  	[tilespmem:s14], [sflag:$0x1] =	stream.indirect.gather [hbm4b:s3+s8], $0x20, s13, s8, $0xb8;
	[tilespmem:$0xA500] =	vst v63  }
0x90: {  	_ = 	snop  }
0x91: {  	[tilespmem:s16], [sflag:$0x1] =	stream.indirect.gather [hbm4b:s3+s8], $0x20, s15, s8, $0xb8;
	[tilespmem:$0xA500] =	vst v63  }
0x92: {  	_ = 	snop  }
0x93: {  	[tilespmem:s18], [sflag:$0x1] =	stream.indirect.gather [hbm4b:s3+s8], $0x20, s17, s8, $0xb8;
	[tilespmem:$0xA500] =	vst v63  }
0x94: {  	_ = 	snop  }
0x95: {  	[tilespmem:s20], [sflag:$0x1] =	stream.indirect.gather [hbm4b:s3+s8], $0x20, s19, s8, $0xb8;
	[tilespmem:$0xA500] =	vst v63  }
0x96: {  	_ = 	snop  }
0x97: {  	[tilespmem:s22], [sflag:$0x1] =	stream.indirect.gather [hbm4b:s3+s8], $0x20, s21, s8, $0xb8;
	[tilespmem:$0xA500] =	vst v63  }
0x98: {  	_ = 	snop  }
0x99: {  	[tilespmem:s24], [sflag:$0x1] =	stream.indirect.gather [hbm4b:s3+s8], $0x20, s23, s8, $0xb8;
	[tilespmem:$0xA500] =	vst v63  }
0x9a: {  	_ = 	snop  }
0x9b: {  	[tilespmem:s26], [sflag:$0x1] =	stream.indirect.gather [hbm4b:s3+s8], $0x20, s25, s8, $0xb8;
	[tilespmem:$0xA500] =	vst v63  }
0x9c: {  	_ =	swait.ge [sflag:s28], $0x1000  }
0x9d: {  	[sflag:s28] =	ssyncset.done $0x0  }
0x9e: {  	[sflag:s28] =	ssyncadd.s32 $0xFFFFF000  }
0x9f: {  	_ =	swait.ge [sflag:s28], $0x1000  }
0xa0: {  	[sflag:s28] =	ssyncset.done $0x0  }
0xa1: {  	[sflag:s28] =	ssyncadd.s32 $0xFFFFF000  }
0xa2: {  	_ =	swait.ge [sflag:s28], $0x1000  }
0xa3: {  	[sflag:s28] =	ssyncset.done $0x0  }
0xa4: {  	[sflag:s28] =	ssyncadd.s32 $0xFFFFF000  }
0xa5: {  	_ =	swait.ge [sflag:s28], $0x1000  }
0xa6: {  	[sflag:s28] =	ssyncset.done $0x0  }
0xa7: {  	[sflag:s28] =	ssyncadd.s32 $0xFFFFF000  }
0xa8: {  	_ =	swait.ge [sflag:s28], $0x1000  }
0xa9: {  	[sflag:s28] =	ssyncset.done $0x0  }
0xaa: {  	[sflag:s28] =	ssyncadd.s32 $0xFFFFF000  }
0xab: {  	_ =	swait.ge [sflag:s28], $0x1000  }
0xac: {  	[sflag:s28] =	ssyncset.done $0x0  }
0xad: {  	[sflag:s28] =	ssyncadd.s32 $0xFFFFF000  }
0xae: {  	_ =	swait.ge [sflag:s28], $0x1000  }
0xaf: {  	[sflag:s28] =	ssyncset.done $0x0  }
0xb0: {  	[sflag:s28] =	ssyncadd.s32 $0xFFFFF000  }
0xb1: {  	_ =	swait.ge [sflag:s28], $0x1000  }
0xb2: {  	[sflag:s28] =	ssyncset.done $0x0  }
0xb3: {  	[sflag:s28] =	ssyncadd.s32 $0xFFFFF000  }
0xb4: {  	_ =	swait.ge [sflag:s28], $0x1000  }
0xb5: {  	[sflag:s28] =	ssyncset.done $0x0  }
0xb6: {  	[sflag:s28] =	ssyncadd.s32 $0xFFFFF000  }
0xb7: {  	_ =	swait.ge [sflag:s28], $0x1000  }
0xb8: {  	[sflag:s28] =	ssyncset.done $0x0  }
0xb9: {  	[sflag:s28] =	ssyncadd.s32 $0xFFFFF000  }
0xba: {  	[hbm4b:s30+s2] =	stream.linear.scatter [tilespmem:s9], [sflag:$0x2], $0xA000, $0x38;
	[tilespmem:$0xA500] =	vst v63  }
0xbb: {  	_ =	swait.ge [sflag:s7], $0xA000  }
0xbc: {  	s29 =	sadd.s32 $0x1, s29;
	s31 =	rddreg [dreg:$0x3]  }
0xbd: {  	p0 =	sne.s32 s29, s31  }
.Ltmp1:
0xbe: {  	_ = 	snop;
	(pc) =	sbr.rel @p0 .LBB2_1-.Ltmp1, $3  }
0xbf: {  	_ =	sdelay $0x1  }
0xc0: {  	[sflag:s7] =	ssyncset.done $0x0  }
0xc1: {  	[sflag:s7] =	ssyncadd.s32 $0xFFFF6000  }
0xc2: {  	_ =	sfence.sel $0x180000  }
0xc3: {  	[bflag:$0x0] =	sbarrier.arrive $0xFFFF  }
0xc4: {  	_ =	strace $0x90000047  }
0xc5: {  	s0 =	stileid.u32;
	[bflag:$0x2] =	sbarrier.arrive $0xFFFF  }
0xc6: {  	p0 =	sne.s32 s0, $0x0;
	s0 =	rddreg [dreg:$0x2]  }
0xc7: {  	s0 =	sadd.s32 @!p0 $0x100000, s0  }
0xc8: {  	[sflag:s0] =	ssyncadd.tile.s32 @!p0 $0x1;
	_ =	shalt  }
.Lfunc_end2:
_tile_overlayer_lowered:
.L_overlay_start_2:
0xc9: {  	(tag) =	ssettag $0x2  }
0xca: {  	s0 =	rddreg [dreg:$0x0];
	s2 =	stileid.u32  }
0xcb: {  	s1 =	rddreg [dreg:$0x1];
	p0 =	sne.s32 s2, $0x0  }
0xcc: {  	s3 =	rddreg [dreg:$0x2];
	[bflag:$0x3] =	sbarrier.arrive $0xFFFF;
	s2 =	simm.s32 @!p0 $0x1C02  }
0xcd: {  	[timem:s3], [sflag:s2] =	dma.local @!p0 [hbm:s0], s1  }
0xce: {  	s0 =	simm.s32 @!p0 $0x2  }
0xcf: {  	_ =	swait.ge @!p0 [sflag:s0], s1  }
0xd0: {  	s1 =	ssub.s32 @!p0 $0x0, s1;
	[sflag:s0] =	ssyncset.done @!p0 $0x0  }
0xd1: {  	[sflag:s0] =	ssyncadd.s32 @!p0 s1  }
0xd2: {  	[bflag:$0x3] =	sbarrier.arrive $0xFFFF  }
0xd3: {  	_ =	shalt  }

</sc_bundles>
